<compile_context>
chip_gen: v7x
topology: tpu7x:2x2x1
jax: 0.10.2.dev20260603
libtpu: 0.0.44.dev20260713+nightly
codegen_flags: <defaults>
</compile_context>

<pallas_src>
import jax
import jax.numpy as jnp
from jax import lax
from jax.experimental import pallas as pl
from jax.experimental.pallas import tpu as pltpu
from jax.experimental.pallas import tpu_sc as plsc

N = 262144
C = 256


_BR = 1024
_NBLK = N // _BR


def _lse_body(x_ref, out_ref, acc_ref):
    i = pl.program_id(0)

    @pl.when(i == 0)
    def _init():
        acc_ref[0, 0] = 0.0

    x = x_ref[...]
    m = jnp.max(x, axis=1, keepdims=True)
    s = jnp.sum(jnp.exp(x - m), axis=1, keepdims=True)
    lse = jnp.log(s) + m
    acc_ref[0, 0] += jnp.sum(lse)

    @pl.when(i == _NBLK - 1)
    def _fin():
        out_ref[0, 0] = acc_ref[0, 0]


def _lse_sum(output):
    out = pl.pallas_call(
        _lse_body,
        grid=(_NBLK,),
        in_specs=[pl.BlockSpec((_BR, C), lambda i: (i, 0))],
        out_specs=pl.BlockSpec(memory_space=pltpu.SMEM),
        out_shape=jax.ShapeDtypeStruct((1, 1), jnp.float32),
        scratch_shapes=[pltpu.SMEM((1, 1), jnp.float32)],
    )(output)
    return out[0, 0]



_NW = 32
_BPW = N // _NW
_CHUNK = 128
_NCHUNK = _BPW // _CHUNK


def _gather_body(tbl_hbm, tgt_hbm, out_hbm, t_v, idx_v, g_v, part_v, sem):
    wid = lax.axis_index("s") * 2 + lax.axis_index("c")
    base = wid * _BPW

    pltpu.sync_copy(tgt_hbm.at[pl.ds(base, _BPW)], t_v)

    lanes16 = lax.iota(jnp.int32, 16)

    def chunk(j, acc):
        def build(k, _):
            t16 = t_v[pl.ds(j * _CHUNK + k * 16, 16)]
            idx_v[pl.ds(k * 16, 16)] = (base + j * _CHUNK + k * 16 + lanes16) * C + t16
            return 0

        lax.fori_loop(0, _CHUNK // 16, build, 0, unroll=True)

        pltpu.async_copy(tbl_hbm.at[idx_v], g_v, sem).wait()

        def sel(k, acc):
            return acc + g_v[pl.ds(k * 16, 16)]

        return lax.fori_loop(0, _CHUNK // 16, sel, acc, unroll=True)

    acc = lax.fori_loop(
        0, _NCHUNK, chunk, jnp.zeros((16,), jnp.float32), unroll=False
    )
    part_v[...] = acc
    pltpu.sync_copy(part_v, out_hbm.at[wid])


def _target_sum(output, tgt):
    tbl = output.reshape(N * C)
    mesh = plsc.VectorSubcoreMesh(core_axis_name="c", subcore_axis_name="s")
    kern = pl.kernel(
        _gather_body,
        mesh=mesh,
        out_type=jax.ShapeDtypeStruct((_NW, 16), jnp.float32),
        scratch_types=[
            pltpu.VMEM((_BPW,), jnp.int32),
            pltpu.VMEM((_CHUNK,), jnp.int32),
            pltpu.VMEM((_CHUNK,), jnp.float32),
            pltpu.VMEM((16,), jnp.float32),
            pltpu.SemaphoreType.DMA,
        ],
    )
    parts = kern(tbl, tgt)
    return jnp.sum(parts)




def kernel(output, target):
    tgt = target.astype(jnp.int32)
    lse_sum = _lse_sum(output)
    t_sum = _target_sum(output, tgt)
    return (lse_sum - t_sum) / jnp.float32(N)

# --- scband reference (transcript-rebuilt; emitter-appended) ---
"""Pipeline reference for scband-unsupervised-loss-super-resolusion-73332271612422 (READ-ONLY COPY).

The authoritative reference and input builder live on the scoring server;
editing this copy changes nothing except your own understanding.
"""

import jax, jax.numpy as jnp
import numpy as np

N = 262144
C = 256

def setup_inputs(seed: int = 0) -> dict:
    key = jax.random.key(seed)
    k1, k2 = jax.random.split(key)
    output = jax.random.normal(k1, (N, C), dtype=jnp.float32)
    target = jax.random.randint(k2, (N,), 0, C, dtype=jnp.int64)
    return {"output": output, "target": target}

def reference(output, target):
    # Faithful to torch.nn.CrossEntropyLoss(output, target) with mean reduction.
    # NOTE: the original forward also runs a superpixel-histogram mode filter on a
    # detached numpy copy of target (argmax of per-superpixel label histogram),
    # but that copy is discarded and does not affect the returned loss value.
    logp = jax.nn.log_softmax(output, axis=-1)
    tgt = target.astype(jnp.int32)
    nll = -jnp.take_along_axis(logp, tgt[:, None], axis=-1)[:, 0]
    return jnp.mean(nll)

if __name__ == "__main__":
    import jax
    _d = setup_inputs()
    print(jax.jit(kernel)(*tuple(_d.values())))

</pallas_src>

<mosaic_0001>
#map = affine_map<(d0, d1) -> (0)>
#map1 = affine_map<(d0, d1) -> (0, 0)>
module attributes {stable_mosaic.version = 14 : i64} {
  func.func @_gather_body(%arg0: i32, %arg1: i32, %arg2: memref<67108864xf32, #tpu.memory_space<hbm>>, %arg3: memref<262144xi32, #tpu.memory_space<hbm>>, %arg4: memref<32x16xf32, #tpu.memory_space<hbm>>, %arg5: memref<8192xi32, #tpu.memory_space<vmem>>, %arg6: memref<128xi32, #tpu.memory_space<vmem>>, %arg7: memref<128xf32, #tpu.memory_space<vmem>>, %arg8: memref<16xf32, #tpu.memory_space<vmem>>, %arg9: memref<!tpu.dma_semaphore, #tpu.memory_space<semaphore_mem>>) attributes {dimension_semantics = [#tpu.dimension_semantics<core_parallel>, #tpu.dimension_semantics<subcore_parallel>], iteration_bounds = array<i64: 2, 16>, scalar_prefetch = 0 : i64, scratch_operands = 5 : i64, tpu.core_type = #tpu.core_type<sc_vector_subcore>, window_params = [{transform_indices = #map}, {transform_indices = #map}, {transform_indices = #map1}]} {
    %mul3A = arith.constant 2 : i32
    %mul3A_0 = arith.muli %arg1, %mul3A : i32
    %add3A = arith.addi %mul3A_0, %arg0 : i32
    %mul3A_1 = arith.constant 8192 : i32
    %mul3A_2 = arith.muli %add3A, %mul3A_1 : i32
    "tpu.region"() ({
      %run_scoped3A = tpu.sem_alloc : memref<!tpu.dma_semaphore, #tpu.memory_space<semaphore_mem>>
      %dma_start3A = tpu.memref_slice %arg3[%mul3A_2] : memref<262144xi32, #tpu.memory_space<hbm>> -> memref<8192xi32, #tpu.memory_space<hbm>>
      %dma_start3A_12 = tpu.memref_slice %arg3[%mul3A_2] : memref<262144xi32, #tpu.memory_space<hbm>> -> memref<8192xi32, #tpu.memory_space<hbm>>
      tpu.enqueue_dma source(%dma_start3A_12 : memref<8192xi32, #tpu.memory_space<hbm>>) target(%arg5 : memref<8192xi32, #tpu.memory_space<vmem>>) target_semaphore(%run_scoped3A : memref<!tpu.dma_semaphore, #tpu.memory_space<semaphore_mem>>)
      %dma_wait3A = tpu.memref_slice %arg3[%mul3A_2] : memref<262144xi32, #tpu.memory_space<hbm>> -> memref<8192xi32, #tpu.memory_space<hbm>>
      %dma_wait3A_13 = tpu.memref_slice %arg3[%mul3A_2] : memref<262144xi32, #tpu.memory_space<hbm>> -> memref<8192xi32, #tpu.memory_space<hbm>>
      tpu.wait_dma2 semaphore(%run_scoped3A : memref<!tpu.dma_semaphore, #tpu.memory_space<semaphore_mem>>) src(%dma_wait3A_13 : memref<8192xi32, #tpu.memory_space<hbm>>) dst(%arg5 : memref<8192xi32, #tpu.memory_space<vmem>>)
      tpu.yield
    }) : () -> ()
    %iota3A = tpu.iota {dimensions = array<i32: 0>} : vector<16xi32>
    %broadcast_in_dim3A = arith.constant 0.000000e+00 : f32
    %broadcast_in_dim3A_3 = vector.broadcast %broadcast_in_dim3A : f32 to vector<16xf32>
    %scan3A = arith.constant 0 : i32
    %scan3A_4 = arith.constant 64 : i32
    %scan3A_5 = arith.addi %scan3A, %scan3A_4 : i32
    %scan3A_6 = arith.constant 1 : i32
    %scan3A_7 = scf.for %scan3A_12 = %scan3A to %scan3A_5 step %scan3A_6 iter_args(%scan3A_13 = %broadcast_in_dim3A_3) -> (vector<16xf32>)  : i32 {
      %scan3A_14 = arith.constant 0 : i32
      %scan3A_15 = arith.constant 0 : i32
      %mul3A_16 = arith.constant 128 : i32
      %mul3A_17 = arith.muli %scan3A_12, %mul3A_16 : i32
      %mul3A_18 = arith.constant 16 : i32
      %mul3A_19 = arith.muli %scan3A_15, %mul3A_18 : i32
      %add3A_20 = arith.addi %mul3A_17, %mul3A_19 : i32
      %get3A = arith.index_cast %add3A_20 : i32 to index
      %get3A_21 = tpu.vector_load %arg5[%get3A] {strides = array<i32>} : memref<8192xi32, #tpu.memory_space<vmem>>, vector<16xi32>,
      %get3A_22 = vector.shape_cast %get3A_21 : vector<16xi32> to vector<16xi32>
      %mul3A_23 = arith.constant 128 : i32
      %mul3A_24 = arith.muli %scan3A_12, %mul3A_23 : i32
      %add3A_25 = arith.addi %mul3A_2, %mul3A_24 : i32
      %mul3A_26 = arith.constant 16 : i32
      %mul3A_27 = arith.muli %scan3A_15, %mul3A_26 : i32
      %add3A_28 = arith.addi %add3A_25, %mul3A_27 : i32
      %add3A_29 = vector.broadcast %add3A_28 : i32 to vector<16xi32>
      %add3A_30 = arith.addi %add3A_29, %iota3A : vector<16xi32>
      %mul3A_31 = arith.constant 256 : i32
      %mul3A_32 = vector.broadcast %mul3A_31 : i32 to vector<16xi32>
      %mul3A_33 = arith.muli %add3A_30, %mul3A_32 : vector<16xi32>
      %add3A_34 = arith.addi %mul3A_33, %get3A_22 : vector<16xi32>
      %mul3A_35 = arith.constant 16 : i32
      %mul3A_36 = arith.muli %scan3A_15, %mul3A_35 : i32
      %swap3A_37 = arith.index_cast %mul3A_36 : i32 to index
      %swap3A_38 = tpu.vector_load %arg6[%swap3A_37] {strides = array<i32>} : memref<128xi32, #tpu.memory_space<vmem>>, vector<16xi32>,
      %swap3A_39 = vector.shape_cast %swap3A_38 : vector<16xi32> to vector<16xi32>
      %swap3A_40 = vector.shape_cast %add3A_34 : vector<16xi32> to vector<16xi32>
      tpu.vector_store %arg6[%swap3A_37], %swap3A_40 {strides = array<i32>} : memref<128xi32, #tpu.memory_space<vmem>>, vector<16xi32>,
      %scan3A_41 = arith.constant 0 : i32
      %scan3A_42 = arith.constant 1 : i32
      %mul3A_43 = arith.constant 128 : i32
      %mul3A_44 = arith.muli %scan3A_12, %mul3A_43 : i32
      %mul3A_45 = arith.constant 16 : i32
      %mul3A_46 = arith.muli %scan3A_42, %mul3A_45 : i32
      %add3A_47 = arith.addi %mul3A_44, %mul3A_46 : i32
      %get3A_48 = arith.index_cast %add3A_47 : i32 to index
      %get3A_49 = tpu.vector_load %arg5[%get3A_48] {strides = array<i32>} : memref<8192xi32, #tpu.memory_space<vmem>>, vector<16xi32>,
      %get3A_50 = vector.shape_cast %get3A_49 : vector<16xi32> to vector<16xi32>
      %mul3A_51 = arith.constant 128 : i32
      %mul3A_52 = arith.muli %scan3A_12, %mul3A_51 : i32
      %add3A_53 = arith.addi %mul3A_2, %mul3A_52 : i32
      %mul3A_54 = arith.constant 16 : i32
      %mul3A_55 = arith.muli %scan3A_42, %mul3A_54 : i32
      %add3A_56 = arith.addi %add3A_53, %mul3A_55 : i32
      %add3A_57 = vector.broadcast %add3A_56 : i32 to vector<16xi32>
      %add3A_58 = arith.addi %add3A_57, %iota3A : vector<16xi32>
      %mul3A_59 = arith.constant 256 : i32
      %mul3A_60 = vector.broadcast %mul3A_59 : i32 to vector<16xi32>
      %mul3A_61 = arith.muli %add3A_58, %mul3A_60 : vector<16xi32>
      %add3A_62 = arith.addi %mul3A_61, %get3A_50 : vector<16xi32>
      %mul3A_63 = arith.constant 16 : i32
      %mul3A_64 = arith.muli %scan3A_42, %mul3A_63 : i32
      %swap3A_65 = arith.index_cast %mul3A_64 : i32 to index
      %swap3A_66 = tpu.vector_load %arg6[%swap3A_65] {strides = array<i32>} : memref<128xi32, #tpu.memory_space<vmem>>, vector<16xi32>,
      %swap3A_67 = vector.shape_cast %swap3A_66 : vector<16xi32> to vector<16xi32>
      %swap3A_68 = vector.shape_cast %add3A_62 : vector<16xi32> to vector<16xi32>
      tpu.vector_store %arg6[%swap3A_65], %swap3A_68 {strides = array<i32>} : memref<128xi32, #tpu.memory_space<vmem>>, vector<16xi32>,
      %scan3A_69 = arith.constant 0 : i32
      %scan3A_70 = arith.constant 2 : i32
      %mul3A_71 = arith.constant 128 : i32
      %mul3A_72 = arith.muli %scan3A_12, %mul3A_71 : i32
      %mul3A_73 = arith.constant 16 : i32
      %mul3A_74 = arith.muli %scan3A_70, %mul3A_73 : i32
      %add3A_75 = arith.addi %mul3A_72, %mul3A_74 : i32
      %get3A_76 = arith.index_cast %add3A_75 : i32 to index
      %get3A_77 = tpu.vector_load %arg5[%get3A_76] {strides = array<i32>} : memref<8192xi32, #tpu.memory_space<vmem>>, vector<16xi32>,
      %get3A_78 = vector.shape_cast %get3A_77 : vector<16xi32> to vector<16xi32>
      %mul3A_79 = arith.constant 128 : i32
      %mul3A_80 = arith.muli %scan3A_12, %mul3A_79 : i32
      %add3A_81 = arith.addi %mul3A_2, %mul3A_80 : i32
      %mul3A_82 = arith.constant 16 : i32
      %mul3A_83 = arith.muli %scan3A_70, %mul3A_82 : i32
      %add3A_84 = arith.addi %add3A_81, %mul3A_83 : i32
      %add3A_85 = vector.broadcast %add3A_84 : i32 to vector<16xi32>
      %add3A_86 = arith.addi %add3A_85, %iota3A : vector<16xi32>
      %mul3A_87 = arith.constant 256 : i32
      %mul3A_88 = vector.broadcast %mul3A_87 : i32 to vector<16xi32>
      %mul3A_89 = arith.muli %add3A_86, %mul3A_88 : vector<16xi32>
      %add3A_90 = arith.addi %mul3A_89, %get3A_78 : vector<16xi32>
      %mul3A_91 = arith.constant 16 : i32
      %mul3A_92 = arith.muli %scan3A_70, %mul3A_91 : i32
      %swap3A_93 = arith.index_cast %mul3A_92 : i32 to index
      %swap3A_94 = tpu.vector_load %arg6[%swap3A_93] {strides = array<i32>} : memref<128xi32, #tpu.memory_space<vmem>>, vector<16xi32>,
      %swap3A_95 = vector.shape_cast %swap3A_94 : vector<16xi32> to vector<16xi32>
      %swap3A_96 = vector.shape_cast %add3A_90 : vector<16xi32> to vector<16xi32>
      tpu.vector_store %arg6[%swap3A_93], %swap3A_96 {strides = array<i32>} : memref<128xi32, #tpu.memory_space<vmem>>, vector<16xi32>,
      %scan3A_97 = arith.constant 0 : i32
      %scan3A_98 = arith.constant 3 : i32
      %mul3A_99 = arith.constant 128 : i32
      %mul3A_100 = arith.muli %scan3A_12, %mul3A_99 : i32
      %mul3A_101 = arith.constant 16 : i32
      %mul3A_102 = arith.muli %scan3A_98, %mul3A_101 : i32
      %add3A_103 = arith.addi %mul3A_100, %mul3A_102 : i32
      %get3A_104 = arith.index_cast %add3A_103 : i32 to index
      %get3A_105 = tpu.vector_load %arg5[%get3A_104] {strides = array<i32>} : memref<8192xi32, #tpu.memory_space<vmem>>, vector<16xi32>,
      %get3A_106 = vector.shape_cast %get3A_105 : vector<16xi32> to vector<16xi32>
      %mul3A_107 = arith.constant 128 : i32
      %mul3A_108 = arith.muli %scan3A_12, %mul3A_107 : i32
      %add3A_109 = arith.addi %mul3A_2, %mul3A_108 : i32
      %mul3A_110 = arith.constant 16 : i32
      %mul3A_111 = arith.muli %scan3A_98, %mul3A_110 : i32
      %add3A_112 = arith.addi %add3A_109, %mul3A_111 : i32
      %add3A_113 = vector.broadcast %add3A_112 : i32 to vector<16xi32>
      %add3A_114 = arith.addi %add3A_113, %iota3A : vector<16xi32>
      %mul3A_115 = arith.constant 256 : i32
      %mul3A_116 = vector.broadcast %mul3A_115 : i32 to vector<16xi32>
      %mul3A_117 = arith.muli %add3A_114, %mul3A_116 : vector<16xi32>
      %add3A_118 = arith.addi %mul3A_117, %get3A_106 : vector<16xi32>
      %mul3A_119 = arith.constant 16 : i32
      %mul3A_120 = arith.muli %scan3A_98, %mul3A_119 : i32
      %swap3A_121 = arith.index_cast %mul3A_120 : i32 to index
      %swap3A_122 = tpu.vector_load %arg6[%swap3A_121] {strides = array<i32>} : memref<128xi32, #tpu.memory_space<vmem>>, vector<16xi32>,
      %swap3A_123 = vector.shape_cast %swap3A_122 : vector<16xi32> to vector<16xi32>
      %swap3A_124 = vector.shape_cast %add3A_118 : vector<16xi32> to vector<16xi32>
      tpu.vector_store %arg6[%swap3A_121], %swap3A_124 {strides = array<i32>} : memref<128xi32, #tpu.memory_space<vmem>>, vector<16xi32>,
      %scan3A_125 = arith.constant 0 : i32
      %scan3A_126 = arith.constant 4 : i32
      %mul3A_127 = arith.constant 128 : i32
      %mul3A_128 = arith.muli %scan3A_12, %mul3A_127 : i32
      %mul3A_129 = arith.constant 16 : i32
      %mul3A_130 = arith.muli %scan3A_126, %mul3A_129 : i32
      %add3A_131 = arith.addi %mul3A_128, %mul3A_130 : i32
      %get3A_132 = arith.index_cast %add3A_131 : i32 to index
      %get3A_133 = tpu.vector_load %arg5[%get3A_132] {strides = array<i32>} : memref<8192xi32, #tpu.memory_space<vmem>>, vector<16xi32>,
      %get3A_134 = vector.shape_cast %get3A_133 : vector<16xi32> to vector<16xi32>
      %mul3A_135 = arith.constant 128 : i32
      %mul3A_136 = arith.muli %scan3A_12, %mul3A_135 : i32
      %add3A_137 = arith.addi %mul3A_2, %mul3A_136 : i32
      %mul3A_138 = arith.constant 16 : i32
      %mul3A_139 = arith.muli %scan3A_126, %mul3A_138 : i32
      %add3A_140 = arith.addi %add3A_137, %mul3A_139 : i32
      %add3A_141 = vector.broadcast %add3A_140 : i32 to vector<16xi32>
      %add3A_142 = arith.addi %add3A_141, %iota3A : vector<16xi32>
      %mul3A_143 = arith.constant 256 : i32
      %mul3A_144 = vector.broadcast %mul3A_143 : i32 to vector<16xi32>
      %mul3A_145 = arith.muli %add3A_142, %mul3A_144 : vector<16xi32>
      %add3A_146 = arith.addi %mul3A_145, %get3A_134 : vector<16xi32>
      %mul3A_147 = arith.constant 16 : i32
      %mul3A_148 = arith.muli %scan3A_126, %mul3A_147 : i32
      %swap3A_149 = arith.index_cast %mul3A_148 : i32 to index
      %swap3A_150 = tpu.vector_load %arg6[%swap3A_149] {strides = array<i32>} : memref<128xi32, #tpu.memory_space<vmem>>, vector<16xi32>,
      %swap3A_151 = vector.shape_cast %swap3A_150 : vector<16xi32> to vector<16xi32>
      %swap3A_152 = vector.shape_cast %add3A_146 : vector<16xi32> to vector<16xi32>
      tpu.vector_store %arg6[%swap3A_149], %swap3A_152 {strides = array<i32>} : memref<128xi32, #tpu.memory_space<vmem>>, vector<16xi32>,
      %scan3A_153 = arith.constant 0 : i32
      %scan3A_154 = arith.constant 5 : i32
      %mul3A_155 = arith.constant 128 : i32
      %mul3A_156 = arith.muli %scan3A_12, %mul3A_155 : i32
      %mul3A_157 = arith.constant 16 : i32
      %mul3A_158 = arith.muli %scan3A_154, %mul3A_157 : i32
      %add3A_159 = arith.addi %mul3A_156, %mul3A_158 : i32
      %get3A_160 = arith.index_cast %add3A_159 : i32 to index
      %get3A_161 = tpu.vector_load %arg5[%get3A_160] {strides = array<i32>} : memref<8192xi32, #tpu.memory_space<vmem>>, vector<16xi32>,
      %get3A_162 = vector.shape_cast %get3A_161 : vector<16xi32> to vector<16xi32>
      %mul3A_163 = arith.constant 128 : i32
      %mul3A_164 = arith.muli %scan3A_12, %mul3A_163 : i32
      %add3A_165 = arith.addi %mul3A_2, %mul3A_164 : i32
      %mul3A_166 = arith.constant 16 : i32
      %mul3A_167 = arith.muli %scan3A_154, %mul3A_166 : i32
      %add3A_168 = arith.addi %add3A_165, %mul3A_167 : i32
      %add3A_169 = vector.broadcast %add3A_168 : i32 to vector<16xi32>
      %add3A_170 = arith.addi %add3A_169, %iota3A : vector<16xi32>
      %mul3A_171 = arith.constant 256 : i32
      %mul3A_172 = vector.broadcast %mul3A_171 : i32 to vector<16xi32>
      %mul3A_173 = arith.muli %add3A_170, %mul3A_172 : vector<16xi32>
      %add3A_174 = arith.addi %mul3A_173, %get3A_162 : vector<16xi32>
      %mul3A_175 = arith.constant 16 : i32
      %mul3A_176 = arith.muli %scan3A_154, %mul3A_175 : i32
      %swap3A_177 = arith.index_cast %mul3A_176 : i32 to index
      %swap3A_178 = tpu.vector_load %arg6[%swap3A_177] {strides = array<i32>} : memref<128xi32, #tpu.memory_space<vmem>>, vector<16xi32>,
      %swap3A_179 = vector.shape_cast %swap3A_178 : vector<16xi32> to vector<16xi32>
      %swap3A_180 = vector.shape_cast %add3A_174 : vector<16xi32> to vector<16xi32>
      tpu.vector_store %arg6[%swap3A_177], %swap3A_180 {strides = array<i32>} : memref<128xi32, #tpu.memory_space<vmem>>, vector<16xi32>,
      %scan3A_181 = arith.constant 0 : i32
      %scan3A_182 = arith.constant 6 : i32
      %mul3A_183 = arith.constant 128 : i32
      %mul3A_184 = arith.muli %scan3A_12, %mul3A_183 : i32
      %mul3A_185 = arith.constant 16 : i32
      %mul3A_186 = arith.muli %scan3A_182, %mul3A_185 : i32
      %add3A_187 = arith.addi %mul3A_184, %mul3A_186 : i32
      %get3A_188 = arith.index_cast %add3A_187 : i32 to index
      %get3A_189 = tpu.vector_load %arg5[%get3A_188] {strides = array<i32>} : memref<8192xi32, #tpu.memory_space<vmem>>, vector<16xi32>,
      %get3A_190 = vector.shape_cast %get3A_189 : vector<16xi32> to vector<16xi32>
      %mul3A_191 = arith.constant 128 : i32
      %mul3A_192 = arith.muli %scan3A_12, %mul3A_191 : i32
      %add3A_193 = arith.addi %mul3A_2, %mul3A_192 : i32
      %mul3A_194 = arith.constant 16 : i32
      %mul3A_195 = arith.muli %scan3A_182, %mul3A_194 : i32
      %add3A_196 = arith.addi %add3A_193, %mul3A_195 : i32
      %add3A_197 = vector.broadcast %add3A_196 : i32 to vector<16xi32>
      %add3A_198 = arith.addi %add3A_197, %iota3A : vector<16xi32>
      %mul3A_199 = arith.constant 256 : i32
      %mul3A_200 = vector.broadcast %mul3A_199 : i32 to vector<16xi32>
      %mul3A_201 = arith.muli %add3A_198, %mul3A_200 : vector<16xi32>
      %add3A_202 = arith.addi %mul3A_201, %get3A_190 : vector<16xi32>
      %mul3A_203 = arith.constant 16 : i32
      %mul3A_204 = arith.muli %scan3A_182, %mul3A_203 : i32
      %swap3A_205 = arith.index_cast %mul3A_204 : i32 to index
      %swap3A_206 = tpu.vector_load %arg6[%swap3A_205] {strides = array<i32>} : memref<128xi32, #tpu.memory_space<vmem>>, vector<16xi32>,
      %swap3A_207 = vector.shape_cast %swap3A_206 : vector<16xi32> to vector<16xi32>
      %swap3A_208 = vector.shape_cast %add3A_202 : vector<16xi32> to vector<16xi32>
      tpu.vector_store %arg6[%swap3A_205], %swap3A_208 {strides = array<i32>} : memref<128xi32, #tpu.memory_space<vmem>>, vector<16xi32>,
      %scan3A_209 = arith.constant 0 : i32
      %scan3A_210 = arith.constant 7 : i32
      %mul3A_211 = arith.constant 128 : i32
      %mul3A_212 = arith.muli %scan3A_12, %mul3A_211 : i32
      %mul3A_213 = arith.constant 16 : i32
      %mul3A_214 = arith.muli %scan3A_210, %mul3A_213 : i32
      %add3A_215 = arith.addi %mul3A_212, %mul3A_214 : i32
      %get3A_216 = arith.index_cast %add3A_215 : i32 to index
      %get3A_217 = tpu.vector_load %arg5[%get3A_216] {strides = array<i32>} : memref<8192xi32, #tpu.memory_space<vmem>>, vector<16xi32>,
      %get3A_218 = vector.shape_cast %get3A_217 : vector<16xi32> to vector<16xi32>
      %mul3A_219 = arith.constant 128 : i32
      %mul3A_220 = arith.muli %scan3A_12, %mul3A_219 : i32
      %add3A_221 = arith.addi %mul3A_2, %mul3A_220 : i32
      %mul3A_222 = arith.constant 16 : i32
      %mul3A_223 = arith.muli %scan3A_210, %mul3A_222 : i32
      %add3A_224 = arith.addi %add3A_221, %mul3A_223 : i32
      %add3A_225 = vector.broadcast %add3A_224 : i32 to vector<16xi32>
      %add3A_226 = arith.addi %add3A_225, %iota3A : vector<16xi32>
      %mul3A_227 = arith.constant 256 : i32
      %mul3A_228 = vector.broadcast %mul3A_227 : i32 to vector<16xi32>
      %mul3A_229 = arith.muli %add3A_226, %mul3A_228 : vector<16xi32>
      %add3A_230 = arith.addi %mul3A_229, %get3A_218 : vector<16xi32>
      %mul3A_231 = arith.constant 16 : i32
      %mul3A_232 = arith.muli %scan3A_210, %mul3A_231 : i32
      %swap3A_233 = arith.index_cast %mul3A_232 : i32 to index
      %swap3A_234 = tpu.vector_load %arg6[%swap3A_233] {strides = array<i32>} : memref<128xi32, #tpu.memory_space<vmem>>, vector<16xi32>,
      %swap3A_235 = vector.shape_cast %swap3A_234 : vector<16xi32> to vector<16xi32>
      %swap3A_236 = vector.shape_cast %add3A_230 : vector<16xi32> to vector<16xi32>
      tpu.vector_store %arg6[%swap3A_233], %swap3A_236 {strides = array<i32>} : memref<128xi32, #tpu.memory_space<vmem>>, vector<16xi32>,
      %scan3A_237 = arith.constant 0 : i32
      %scan3A_238 = arith.constant 8 : i32
      %dma_start3A = arith.constant 0 : i32
      %dma_start3A_239 = tpu.memref_slice %arg2[%dma_start3A] : memref<67108864xf32, #tpu.memory_space<hbm>> -> memref<67108864xf32, #tpu.memory_space<hbm>>
      tpu.enqueue_indirect_dma source(%dma_start3A_239 : memref<67108864xf32, #tpu.memory_space<hbm>>) target(%arg7 : memref<128xf32, #tpu.memory_space<vmem>>) offsets(%arg6 : memref<128xi32, #tpu.memory_space<vmem>>) semaphore(%arg9 : memref<!tpu.dma_semaphore, #tpu.memory_space<semaphore_mem>>)
      %dma_wait3A = arith.constant 0 : i32
      %dma_wait3A_240 = tpu.memref_slice %arg2[%dma_wait3A] : memref<67108864xf32, #tpu.memory_space<hbm>> -> memref<67108864xf32, #tpu.memory_space<hbm>>
      tpu.wait_indirect_dma semaphore(%arg9 : memref<!tpu.dma_semaphore, #tpu.memory_space<semaphore_mem>>) src(%dma_wait3A_240 : memref<67108864xf32, #tpu.memory_space<hbm>>) dst(%arg7 : memref<128xf32, #tpu.memory_space<vmem>>)
      %scan3A_241 = arith.constant 0 : i32
      %mul3A_242 = arith.constant 16 : i32
      %mul3A_243 = arith.muli %scan3A_241, %mul3A_242 : i32
      %get3A_244 = arith.index_cast %mul3A_243 : i32 to index
      %get3A_245 = tpu.vector_load %arg7[%get3A_244] {strides = array<i32>} : memref<128xf32, #tpu.memory_space<vmem>>, vector<16xf32>,
      %get3A_246 = vector.shape_cast %get3A_245 : vector<16xf32> to vector<16xf32>
      %add3A_247 = arith.addf %scan3A_13, %get3A_246 : vector<16xf32>
      %scan3A_248 = arith.constant 1 : i32
      %mul3A_249 = arith.constant 16 : i32
      %mul3A_250 = arith.muli %scan3A_248, %mul3A_249 : i32
      %get3A_251 = arith.index_cast %mul3A_250 : i32 to index
      %get3A_252 = tpu.vector_load %arg7[%get3A_251] {strides = array<i32>} : memref<128xf32, #tpu.memory_space<vmem>>, vector<16xf32>,
      %get3A_253 = vector.shape_cast %get3A_252 : vector<16xf32> to vector<16xf32>
      %add3A_254 = arith.addf %add3A_247, %get3A_253 : vector<16xf32>
      %scan3A_255 = arith.constant 2 : i32
      %mul3A_256 = arith.constant 16 : i32
      %mul3A_257 = arith.muli %scan3A_255, %mul3A_256 : i32
      %get3A_258 = arith.index_cast %mul3A_257 : i32 to index
      %get3A_259 = tpu.vector_load %arg7[%get3A_258] {strides = array<i32>} : memref<128xf32, #tpu.memory_space<vmem>>, vector<16xf32>,
      %get3A_260 = vector.shape_cast %get3A_259 : vector<16xf32> to vector<16xf32>
      %add3A_261 = arith.addf %add3A_254, %get3A_260 : vector<16xf32>
      %scan3A_262 = arith.constant 3 : i32
      %mul3A_263 = arith.constant 16 : i32
      %mul3A_264 = arith.muli %scan3A_262, %mul3A_263 : i32
      %get3A_265 = arith.index_cast %mul3A_264 : i32 to index
      %get3A_266 = tpu.vector_load %arg7[%get3A_265] {strides = array<i32>} : memref<128xf32, #tpu.memory_space<vmem>>, vector<16xf32>,
      %get3A_267 = vector.shape_cast %get3A_266 : vector<16xf32> to vector<16xf32>
      %add3A_268 = arith.addf %add3A_261, %get3A_267 : vector<16xf32>
      %scan3A_269 = arith.constant 4 : i32
      %mul3A_270 = arith.constant 16 : i32
      %mul3A_271 = arith.muli %scan3A_269, %mul3A_270 : i32
      %get3A_272 = arith.index_cast %mul3A_271 : i32 to index
      %get3A_273 = tpu.vector_load %arg7[%get3A_272] {strides = array<i32>} : memref<128xf32, #tpu.memory_space<vmem>>, vector<16xf32>,
      %get3A_274 = vector.shape_cast %get3A_273 : vector<16xf32> to vector<16xf32>
      %add3A_275 = arith.addf %add3A_268, %get3A_274 : vector<16xf32>
      %scan3A_276 = arith.constant 5 : i32
      %mul3A_277 = arith.constant 16 : i32
      %mul3A_278 = arith.muli %scan3A_276, %mul3A_277 : i32
      %get3A_279 = arith.index_cast %mul3A_278 : i32 to index
      %get3A_280 = tpu.vector_load %arg7[%get3A_279] {strides = array<i32>} : memref<128xf32, #tpu.memory_space<vmem>>, vector<16xf32>,
      %get3A_281 = vector.shape_cast %get3A_280 : vector<16xf32> to vector<16xf32>
      %add3A_282 = arith.addf %add3A_275, %get3A_281 : vector<16xf32>
      %scan3A_283 = arith.constant 6 : i32
      %mul3A_284 = arith.constant 16 : i32
      %mul3A_285 = arith.muli %scan3A_283, %mul3A_284 : i32
      %get3A_286 = arith.index_cast %mul3A_285 : i32 to index
      %get3A_287 = tpu.vector_load %arg7[%get3A_286] {strides = array<i32>} : memref<128xf32, #tpu.memory_space<vmem>>, vector<16xf32>,
      %get3A_288 = vector.shape_cast %get3A_287 : vector<16xf32> to vector<16xf32>
      %add3A_289 = arith.addf %add3A_282, %get3A_288 : vector<16xf32>
      %scan3A_290 = arith.constant 7 : i32
      %mul3A_291 = arith.constant 16 : i32
      %mul3A_292 = arith.muli %scan3A_290, %mul3A_291 : i32
      %get3A_293 = arith.index_cast %mul3A_292 : i32 to index
      %get3A_294 = tpu.vector_load %arg7[%get3A_293] {strides = array<i32>} : memref<128xf32, #tpu.memory_space<vmem>>, vector<16xf32>,
      %get3A_295 = vector.shape_cast %get3A_294 : vector<16xf32> to vector<16xf32>
      %add3A_296 = arith.addf %add3A_289, %get3A_295 : vector<16xf32>
      %scan3A_297 = arith.constant 8 : i32
      scf.yield %add3A_296 : vector<16xf32>
    }
    %scan3A_8 = arith.constant 64 : i32
    %swap3A = arith.constant 0 : index
    %swap3A_9 = tpu.vector_load %arg8[%swap3A] {strides = array<i32>} : memref<16xf32, #tpu.memory_space<vmem>>, vector<16xf32>,
    %swap3A_10 = vector.shape_cast %swap3A_9 : vector<16xf32> to vector<16xf32>
    %swap3A_11 = vector.shape_cast %scan3A_7 : vector<16xf32> to vector<16xf32>
    tpu.vector_store %arg8[%swap3A], %swap3A_11 {strides = array<i32>} : memref<16xf32, #tpu.memory_space<vmem>>, vector<16xf32>,
    "tpu.region"() ({
      %run_scoped3A = tpu.sem_alloc : memref<!tpu.dma_semaphore, #tpu.memory_space<semaphore_mem>>
      %dma_start3A = arith.constant 0 : i32
      %dma_start3A_12 = tpu.memref_slice %arg4[%add3A, %dma_start3A] : memref<32x16xf32, #tpu.memory_space<hbm>> -> memref<1x16xf32, #tpu.memory_space<hbm>>
      %dma_start3A_13 = tpu.memref_squeeze %dma_start3A_12 : memref<1x16xf32, #tpu.memory_space<hbm>> -> memref<16xf32, #tpu.memory_space<hbm>>
      %dma_start3A_14 = arith.constant 0 : i32
      %dma_start3A_15 = tpu.memref_slice %arg4[%add3A, %dma_start3A_14] : memref<32x16xf32, #tpu.memory_space<hbm>> -> memref<1x16xf32, #tpu.memory_space<hbm>>
      %dma_start3A_16 = tpu.memref_squeeze %dma_start3A_15 : memref<1x16xf32, #tpu.memory_space<hbm>> -> memref<16xf32, #tpu.memory_space<hbm>>
      tpu.enqueue_dma source(%arg8 : memref<16xf32, #tpu.memory_space<vmem>>) target(%dma_start3A_16 : memref<16xf32, #tpu.memory_space<hbm>>) target_semaphore(%run_scoped3A : memref<!tpu.dma_semaphore, #tpu.memory_space<semaphore_mem>>)
      %dma_wait3A = arith.constant 0 : i32
      %dma_wait3A_17 = tpu.memref_slice %arg4[%add3A, %dma_wait3A] : memref<32x16xf32, #tpu.memory_space<hbm>> -> memref<1x16xf32, #tpu.memory_space<hbm>>
      %dma_wait3A_18 = tpu.memref_squeeze %dma_wait3A_17 : memref<1x16xf32, #tpu.memory_space<hbm>> -> memref<16xf32, #tpu.memory_space<hbm>>
      %dma_wait3A_19 = arith.constant 0 : i32
      %dma_wait3A_20 = tpu.memref_slice %arg4[%add3A, %dma_wait3A_19] : memref<32x16xf32, #tpu.memory_space<hbm>> -> memref<1x16xf32, #tpu.memory_space<hbm>>
      %dma_wait3A_21 = tpu.memref_squeeze %dma_wait3A_20 : memref<1x16xf32, #tpu.memory_space<hbm>> -> memref<16xf32, #tpu.memory_space<hbm>>
      tpu.wait_dma2 semaphore(%run_scoped3A : memref<!tpu.dma_semaphore, #tpu.memory_space<semaphore_mem>>) src(%arg8 : memref<16xf32, #tpu.memory_space<vmem>>) dst(%dma_wait3A_21 : memref<16xf32, #tpu.memory_space<hbm>>)
      tpu.yield
    }) : () -> ()
    return
  }
}

module attributes {stable_mosaic.version = 14 : i64} {
  func.func @_lse_body(%arg0: i32, %arg1: memref<1024x256xf32, #tpu.memory_space<vmem>>, %arg2: memref<1x1xf32, #tpu.memory_space<smem>>, %arg3: memref<1x1xf32, #tpu.memory_space<smem>>) attributes {dimension_semantics = [#tpu.dimension_semantics<arbitrary>], iteration_bounds = array<i64: 256>, scalar_prefetch = 0 : i64, scratch_operands = 1 : i64, tpu.core_type = #tpu.core_type<tc>, window_params = [{transform_indices = @transform_0, window_bounds = array<i64: 1024, 256>}, {transform_indices = @transform_1, window_bounds = array<i64: 1, 1>}]} {
    %eq3A = arith.constant 0 : i32
    %eq3A_0 = arith.cmpi eq, %arg0, %eq3A : i32
    %convert_element_type3A = arith.extui %eq3A_0 : i1 to i32
    %cond3A = arith.constant 0 : i32
    %cond3A_1 = arith.cmpi ne, %convert_element_type3A, %cond3A : i32
    scf.if %cond3A_1 {
      %swap3A_24 = arith.constant 0.000000e+00 : f32
      %swap3A_25 = arith.constant 0 : index
      %swap3A_26 = arith.constant 0 : index
      %swap3A_27 = memref.load %arg3[%swap3A_25, %swap3A_26] : memref<1x1xf32, #tpu.memory_space<smem>>
      memref.store %swap3A_24, %arg3[%swap3A_25, %swap3A_26] : memref<1x1xf32, #tpu.memory_space<smem>>
    } else {
    }
    %get3A = arith.constant 0 : index
    %get3A_2 = arith.constant 0 : index
    %get3A_3 = vector.load %arg1[%get3A, %get3A_2] : memref<1024x256xf32, #tpu.memory_space<vmem>>, vector<1024x256xf32>
    %reduce_max3A = arith.constant dense<0xFF800000> : vector<1024xf32>
    %reduce_max3A_4 = vector.multi_reduction <maximumf>, %get3A_3, %reduce_max3A [1] : vector<1024x256xf32> to vector<1024xf32>
    %broadcast_in_dim3A = vector.shape_cast %reduce_max3A_4 : vector<1024xf32> to vector<1024x1xf32>
    %sub3A = vector.broadcast %broadcast_in_dim3A : vector<1024x1xf32> to vector<1024x256xf32>
    %sub3A_5 = arith.subf %get3A_3, %sub3A : vector<1024x256xf32>
    %exp3A = math.exp %sub3A_5 : vector<1024x256xf32>
    %reduce_sum3A = arith.constant dense<0.000000e+00> : vector<1024xf32>
    %reduce_sum3A_6 = vector.multi_reduction <add>, %exp3A, %reduce_sum3A [1] : vector<1024x256xf32> to vector<1024xf32>
    %broadcast_in_dim3A_7 = vector.shape_cast %reduce_sum3A_6 : vector<1024xf32> to vector<1024x1xf32>
    %log3A = math.log %broadcast_in_dim3A_7 : vector<1024x1xf32>
    %add3A = arith.addf %log3A, %broadcast_in_dim3A : vector<1024x1xf32>
    %get3A_8 = arith.constant 0 : index
    %get3A_9 = arith.constant 0 : index
    %get3A_10 = memref.load %arg3[%get3A_8, %get3A_9] : memref<1x1xf32, #tpu.memory_space<smem>>
    %reduce_sum3A_11 = vector.shape_cast %add3A : vector<1024x1xf32> to vector<1x1024x1xf32>
    %reduce_sum3A_12 = arith.constant dense<0.000000e+00> : vector<1xf32>
    %reduce_sum3A_13 = vector.multi_reduction <add>, %reduce_sum3A_11, %reduce_sum3A_12 [1, 2] : vector<1x1024x1xf32> to vector<1xf32>
    %reduce_sum3A_14 = vector.shape_cast %reduce_sum3A_13 : vector<1xf32> to vector<1x1x1xf32>
    %reduce_sum3A_15 = vector.extract %reduce_sum3A_14[0, 0, 0] : f32 from vector<1x1x1xf32>
    %add3A_16 = arith.addf %get3A_10, %reduce_sum3A_15 : f32
    %swap3A = arith.constant 0 : index
    %swap3A_17 = arith.constant 0 : index
    %swap3A_18 = memref.load %arg3[%swap3A, %swap3A_17] : memref<1x1xf32, #tpu.memory_space<smem>>
    memref.store %add3A_16, %arg3[%swap3A, %swap3A_17] : memref<1x1xf32, #tpu.memory_space<smem>>
    %eq3A_19 = arith.constant 255 : i32
    %eq3A_20 = arith.cmpi eq, %arg0, %eq3A_19 : i32
    %convert_element_type3A_21 = arith.extui %eq3A_20 : i1 to i32
    %cond3A_22 = arith.constant 0 : i32
    %cond3A_23 = arith.cmpi ne, %convert_element_type3A_21, %cond3A_22 : i32
    scf.if %cond3A_23 {
      %get3A_24 = arith.constant 0 : index
      %get3A_25 = arith.constant 0 : index
      %get3A_26 = memref.load %arg3[%get3A_24, %get3A_25] : memref<1x1xf32, #tpu.memory_space<smem>>
      %swap3A_27 = arith.constant 0 : index
      %swap3A_28 = arith.constant 0 : index
      %swap3A_29 = memref.load %arg2[%swap3A_27, %swap3A_28] : memref<1x1xf32, #tpu.memory_space<smem>>
      memref.store %get3A_26, %arg2[%swap3A_27, %swap3A_28] : memref<1x1xf32, #tpu.memory_space<smem>>
    } else {
    }
    return
  }
  func.func @transform_0(%arg0: i32) -> (i32, i32) {
    %c0_i32 = arith.constant 0 : i32
    %c0_i32_0 = arith.constant 0 : i32
    return %arg0, %c0_i32 : i32, i32
  }
  func.func @transform_1(%arg0: i32) -> (i32, i32) {
    %c0_i32 = arith.constant 0 : i32
    %c0_i32_0 = arith.constant 0 : i32
    %c0_i32_1 = arith.constant 0 : i32
    return %c0_i32, %c0_i32_0 : i32, i32
  }
}

</mosaic_0001>

<sc_bundles>
// kernel: kernel.4.cloned.1.call-start
scs
__scs_entry_jumppad:
0x0: {  	(pc) =	sbr.rel $0x88, $3  }
0x1: {  	(tag) =	ssettag $0x0;
	lr =	simm.s32 $0x1  }
0x2: {  	[smem:$0x3F9F] =	sst lr;
	_ =	strace $0xD0000000  }
0x3: {  	_ = 	snop  }
0x4: {  	_ = 	snop  }
0x5: {  	_ = 	snop  }
0x6: {  	_ = 	snop  }
0x7: {  	_ = 	snop  }
__scs_overlays_trampoline_lowered:
0x8: {  	[smem:$0x3FAE] =	sst s0  }
0x9: {  	[smem:$0x3FAF] =	sst s1  }
0xa: {  	[smem:$0x3FB0] =	sst s2  }
0xb: {  	[smem:$0x3FB1] =	sst s3  }
0xc: {  	[smem:$0x3FB2] =	sst s4  }
0xd: {  	[smem:$0x3FB3] =	sst s5  }
0xe: {  	[smem:$0x3FB4] =	sst s6  }
0xf: {  	[smem:$0x3FB5] =	sst s7  }
0x10: {  	[smem:$0x3FB6] =	sst s8  }
0x11: {  	[smem:$0x3FB7] =	sst s9;
	s0 =	simm.s32 @!p0 $0x0  }
0x12: {  	s1 =	sld [smem:$0x3F9D];
	s0 =	simm.s32 @p0 $0x1  }
0x13: {  	[smem:$0x3FB8] =	sst s0;
	s0 =	simm.s32 @!p1 $0x0  }
0x14: {  	s2 =	sld [smem:$0x3F9C];
	s0 =	simm.s32 @p1 $0x1  }
0x15: {  	[smem:$0x3FB9] =	sst s0;
	s0 =	simm.s32 @!p2 $0x0  }
0x16: {  	s3 =	sld [smem:$0x3FDB];
	s0 =	simm.s32 @p2 $0x1  }
0x17: {  	s4 =	simm.s32 $0x1BF5;
	[smem:$0x3FBB] =	sst s0  }
0x18: {  	s0 =	sld [smem:$0x3F9E];
	_ =	swait.ge [sflag:s4], $0x0  }
0x19: {  	s7 =	sld [smem:$0x3F9F]  }
0x1a: {  	s8 =	sadd.s32 $0xFFFFE003, lr  }
0x1b: {  	s9 =	sadd.s32 $0xFFFFFEF7, lr;
	s5 =	simm.s32 $0xFFFFFFFF;
	p2 =	slt.u32 s8, $0xFFFFF086  }
0x1c: {  	p1 =	slt.u32 s9, $0xF7A;
	s5 =	simm.s32 @!p2 $0x0  }
0x1d: {  	s5 =	simm.s32 @p1 $0x1;
	p0 =	seq.s32 s7, s2  }
0x1e: {  	s7 =	smul.u32 @!p0 $0xF7A, s2;
	p2 =	seq.s32 @!p0 s5, $0x0  }
0x1f: {  	s9 =	smul.u32 $0xF7A, s1;
	s8 =	simm.s32 @!p0 $0x1BF5;
	p2 =	por !p2, p0  }
0x20: {  	[sflag:s8] =	ssyncset.s32 @!p0 $0xFFFFF086;
	s6 =	sadd.s32 @!p0 s3, s7;
	s7 =	simm.s32 @!p0 $0x108  }
0x21: {  	s3 =	sadd.s32 s3, s9;
	s6 =	sadd.s32 @!p0 $0x88, s6;
	s7 =	simm.s32 @p2 $0x1082  }
0x22: {  	[simem:s7], [sflag:s8] =	dma.local @!p0 [hbm:s6], $0xF7A  }
0x23: {  	s9 =	sor.u32 $0xD0000000, s2;
	s6 =	simm.s32 $0x108;
	_ =	swait.ge @!p0 [sflag:s8], $0x0  }
0x24: {  	s3 =	sadd.s32 $0x88, s3;
	s6 =	simm.s32 @!p1 $0x1082;
	[sflag:s4] =	ssyncset.s32 $0xFFFFF086  }
0x25: {  	[simem:s6], [sflag:s4] =	dma.local [hbm:s3], $0xF7A  }
0x26: {  	[smem:$0x3F9F] =	sst s1;
	(tag) =	ssettag s2;
	_ =	strace s9  }
0x27: {  	s1 =	sld [smem:$0x3FAF]  }
0x28: {  	s2 =	sld [smem:$0x3FB0]  }
0x29: {  	s4 =	sld [smem:$0x3FB2]  }
0x2a: {  	p0 =	seq.s32 s5, $0x0;
	s5 =	sld [smem:$0x3FB3]  }
0x2b: {  	s6 =	sld [smem:$0x3FB4]  }
0x2c: {  	s7 =	sld [smem:$0x3FB5]  }
0x2d: {  	s3 =	simm.s32 $0x108;
	s8 =	sld [smem:$0x3FB6]  }
0x2e: {  	s3 =	simm.s32 @!p0 $0x1082;
	s9 =	sld [smem:$0x3FB7]  }
0x2f: {  	lr =	sadd.s32 s0, s3;
	s0 =	sld [smem:$0x3FAE]  }
0x30: {  	s3 =	sld [smem:$0x3FB1]  }
0x31: {  	[smem:$0x3FBA] =	sst s10  }
0x32: {  	s10 =	sld [smem:$0x3FB8];
	_ =	sdelay $0x3  }
0x33: {  	p0 =	seq.s32 s10, $0x1;
	s10 =	sld [smem:$0x3FBA];
	_ =	sdelay $0x3  }
0x34: {  	[smem:$0x3FBA] =	sst s10  }
0x35: {  	s10 =	sld [smem:$0x3FB9];
	_ =	sdelay $0x3  }
0x36: {  	p1 =	seq.s32 s10, $0x1;
	s10 =	sld [smem:$0x3FBA];
	_ =	sdelay $0x3  }
0x37: {  	[smem:$0x3FBA] =	sst s10  }
0x38: {  	s10 =	sld [smem:$0x3FBB]  }
0x39: {  	_ = 	snop;
	(pc) =	sbr.ind lr, $3  }
0x3a: {  	_ = 	snop  }
0x3b: {  	_ = 	snop  }
0x3c: {  	p2 =	seq.s32 s10, $0x1;
	s10 =	sld [smem:$0x3FBA]  }
0x3d: {  	_ =	shalt  }
0x3e: {  	_ =	shalt  }
0x3f: {  	_ =	shalt  }
0x40: {  	_ =	shalt  }
0x41: {  	_ =	shalt  }
0x42: {  	_ =	shalt  }
0x43: {  	_ =	shalt  }
0x44: {  	_ =	shalt  }
0x45: {  	_ =	shalt  }
0x46: {  	_ =	shalt  }
0x47: {  	_ =	shalt  }
0x48: {  	_ =	shalt  }
0x49: {  	_ =	shalt  }
0x4a: {  	_ =	shalt  }
0x4b: {  	_ =	shalt  }
0x4c: {  	_ =	shalt  }
0x4d: {  	_ =	shalt  }
0x4e: {  	_ =	shalt  }
0x4f: {  	_ =	shalt  }
0x50: {  	_ =	shalt  }
0x51: {  	_ =	shalt  }
0x52: {  	_ =	shalt  }
0x53: {  	_ =	shalt  }
0x54: {  	_ =	shalt  }
0x55: {  	_ =	shalt  }
0x56: {  	_ =	shalt  }
0x57: {  	_ =	shalt  }
0x58: {  	_ =	shalt  }
0x59: {  	_ =	shalt  }
0x5a: {  	_ =	shalt  }
0x5b: {  	_ =	shalt  }
0x5c: {  	_ =	shalt  }
0x5d: {  	_ =	shalt  }
0x5e: {  	_ =	shalt  }
0x5f: {  	_ =	shalt  }
0x60: {  	_ =	shalt  }
0x61: {  	_ =	shalt  }
0x62: {  	_ =	shalt  }
0x63: {  	_ =	shalt  }
0x64: {  	_ =	shalt  }
0x65: {  	_ =	shalt  }
0x66: {  	_ =	shalt  }
0x67: {  	_ =	shalt  }
0x68: {  	_ =	shalt  }
0x69: {  	_ =	shalt  }
0x6a: {  	_ =	shalt  }
0x6b: {  	_ =	shalt  }
0x6c: {  	_ =	shalt  }
0x6d: {  	_ =	shalt  }
0x6e: {  	_ =	shalt  }
0x6f: {  	_ =	shalt  }
0x70: {  	_ =	shalt  }
0x71: {  	_ =	shalt  }
0x72: {  	_ =	shalt  }
0x73: {  	_ =	shalt  }
0x74: {  	_ =	shalt  }
0x75: {  	_ =	shalt  }
0x76: {  	_ =	shalt  }
0x77: {  	_ =	shalt  }
0x78: {  	_ =	shalt  }
0x79: {  	_ =	shalt  }
0x7a: {  	_ =	shalt  }
0x7b: {  	_ =	shalt  }
0x7c: {  	_ =	shalt  }
0x7d: {  	_ =	shalt  }
0x7e: {  	_ =	shalt  }
0x7f: {  	_ =	shalt  }
0x80: {  	_ =	shalt  }
0x81: {  	_ =	shalt  }
0x82: {  	_ =	shalt  }
0x83: {  	_ =	shalt  }
0x84: {  	_ =	shalt  }
0x85: {  	_ =	shalt  }
0x86: {  	_ =	shalt  }
0x87: {  	_ =	shalt  }
.Lfunc_end0:
.L_simem_size_0:
called_computation.1_lowered:
.L_overlay_start_0:
0x88: {  	s2 =	sld [smem:$0x3FD9]  }
0x89: {  	s3 =	sld [smem:$0x3FFE];
	_ =	sdelay $0x1  }
0x8a: {  	s1 =	srdreg.scid  }
0x8b: {  	s0 =	sand.u32 $0x1, s1  }
0x8c: {  	s17 =	sshll.u32 s0, $0xA;
	s2 =	sadd.s32 s3, s2  }
0x8d: {  	s2 =	sadd.s32 s2, s17  }
0x8e: {  	[smem:$0x3FC6] =	sst s2  }
0x8f: {  	_ = 	snop  }
0x90: {  	s2 =	sld [smem:$0x3FC8];
	(tm) =	ssettm $0x1  }
0x91: {  	s18 =	sld [smem:$0x3FFB];
	_ =	sdelay $0x3  }
0x92: {  	_ =	strace s18  }
0x93: {  	s3 =	sld [smem:$0x3FFC];
	_ =	sdelay $0x3  }
0x94: {  	_ =	strace s3  }
0x95: {  	s3 =	sld [smem:$0x3FFD];
	_ =	sdelay $0x3  }
0x96: {  	_ =	strace s3  }
0x97: {  	_ =	strace $0x8FFFFFFF  }
0x98: {  	s19 =	sld [smem:$0x3FDB];
	_ =	sdelay $0x1  }
0x99: {  	s4 =	simm.s32 $_scs_section_size  }
0x9a: {  	s5 =	simm.s32 $_size__tile_overlayer_lowered;
	s6 =	simm.s32 $_tile_overlayer_lowered  }
0x9b: {  	s22 =	simm.s32 $0x1BFF;
	s21 =	sshll.u32 s6, $0x1;
	s3 =	sadd.s32 s4, s19  }
0x9c: {  	s7 =	simm.s32 $0x0;
	s20 =	sshll.u32 s5, $0x1;
	s5 =	sadd.s32 s21, s3  }
0x9d: {  	[timem:s7], [sflag:s22] =	dma.local [hbm:s5], s20  }
0x9e: {  	_ =	swait.ge [sflag:s22], s20  }
0x9f: {  	s4 =	ssub.s32 $0x0, s20;
	[sflag:s22] =	ssyncset.done $0x0  }
0xa0: {  	[sflag:s22] =	ssyncadd.s32 s4;
	_ =	sdelay $0x1  }
0xa1: {  	s23 =	simm.s32 $0x1B8B  }
0xa2: {  	_ =	swait.ge [sflag:s23], $0x1  }
0xa3: {  	[sflag:s23] =	ssyncset.done $0x0  }
0xa4: {  	s25 =	simm.s32 $0x1B8E;
	s24 =	sld [smem:$0x3FFE];
	[sflag:s23] =	ssyncadd.s32 $0xFFFFFFFF  }
0xa5: {  	s26 =	simm.s32 $execute0_lowered;
	[smem:$0x3FD2] =	sst s25  }
0xa6: {  	s5 =	sshll.u32 s26, $0x1;
	_ =	strace $0x80000049;
	[dreg:$0x1] =	wrdreg $0xFFFFFFFF  }
0xa7: {  	s28 =	simm.s32 $_size_execute0_lowered;
	s3 =	sadd.s32 s3, s5;
	[dreg:$0x0] =	wrdreg $0x0  }
0xa8: {  	s5 =	sshll.u32 s28, $0x1;
	[dreg:$0x2] =	wrdreg s3  }
0xa9: {  	[dreg:$0x3] =	wrdreg s5  }
0xaa: {  	[dreg:$0x4] =	wrdreg $0xC0  }
0xab: {  	_ =	task [dreg:s7], $0x5FFFF  }
0xac: {  	[dreg:$0x1] =	wrdreg $0xFFFFFFFF  }
0xad: {  	[dreg:$0x0] =	wrdreg $0x60  }
0xae: {  	[dreg:$0x2] =	wrdreg s24  }
0xaf: {  	[dreg:$0x3] =	wrdreg s2  }
0xb0: {  	[dreg:$0x4] =	wrdreg $0x9  }
0xb1: {  	_ =	task.clear_ibuf [dreg:s7], $0x5FFFF;
	_ =	strace $0x90000049  }
0xb2: {  	s29 =	simm.s32 $0x9;
	_ =	strace $0x8000004B  }
0xb3: {  	_ =	swait.ge [sflag:s29], $0x1  }
0xb4: {  	[sflag:s29] =	ssyncadd.s32 $0xFFFFFFFF  }
0xb5: {  	_ =	strace $0x9000004B  }
0xb6: {  	_ =	sfence  }
0xb7: {  	s30 =	sld [smem:$0x0];
	_ =	sdelay $0x2  }
0xb8: {  	s31 =	sshll.u32 s1, $0xD;
	s1 =	sshrl.u32 s1, $0x2  }
0xb9: {  	s3 =	sand.u32 $0x4000, s31;
	s1 =	sadd.s32 s1, s30  }
0xba: {  	s0 =	sor.u32 s3, s0;
	s1 =	sshll.u32 s1, $0x11  }
0xbb: {  	s0 =	sor.u32 s1, s0  }
0xbc: {  	s0 =	sadd.s32 $0x8F2B, s0  }
0xbd: {  	[sflag:s0] =	ssyncadd.remote.s32 $0x1  }
0xbe: {  	_ =	sfence.sel $0xFFFF  }
0xbf: {  	[dreg:$0x0] =	wrdreg $0xFFFFFFFF;
	(pc) =	sbr.abs _section_cstart, $3  }
0xc0: {  	[dreg:$0x1] =	wrdreg $0xFFFFFFFF  }
0xc1: {  	_ =	task.clear_ibuf [dreg:s7], $0x2FFFF;
	_ =	strace $0x9FFFFFFF  }
0xc2: {  	(tm) =	ssettm $0x7FFFFFFF  }
0xc3: {  	_ =	shalt  }
tec
execute0_lowered:
.L_overlay_start_1:
0x0: {  	(tag) =	ssettag $0x1  }
0x1: {  	s4 =	rddreg [dreg:$0x0]  }
0x2: {  	s5 =	rddreg [dreg:$0x1]  }
0x3: {  	s0 =	rddreg [dreg:$0x2];
	s2 =	simm.s32 $0x0  }
0x4: {  	s3 =	srdreg.scid;
	s1 =	stileid.u32;
	s11 =	simm.s32 $0x2080  }
0x5: {  	s12 =	simm.s32 $0x1;
	s13 =	simm.s32 $0x2100;
	s14 =	simm.s32 $0x0  }
0x6: {  	[smem:$0x7FF] =	sst s2;
	s6 =	sand.u32 $0x1, s3;
	s7 =	sshll.u32 s1, $0x1  }
0x7: {  	s3 =	sadd.s32 $0x400, s4;
	s30 =	sshll.u32 s1, $0xE;
	_ =	strace $0x8000004A  }
0x8: {  	s7 =	sor.u32 s6, s7;
	s8 =	ssub.s32 $0x2, s6;
	s31 =	sshll.u32 s6, $0xD  }
0x9: {  	s9 =	sshll.u32 s7, $0x4;
	s10 =	sshrl.u32 s8, $0x1;
	s7 =	sshll.u32 s7, $0xA  }
0xa: {  	s9 =	sadd.s32 s9, s4;
	s8 =	ssub.s32 s8, s10;
	s4 =	sadd.s32 s5, s7  }
0xb: {  	v0 =	vlaneseq.u32;
	s7 =	sor.u32 s31, s30;
	s10 =	simm.s32 $0x2000;
	s5 =	sadd.s32 $0x800400, s9  }
0xc: {  	v0 =	vmul.u32 $0x100, v0;
	s6 =	smax.u32 s8, $0x1;
	s8 =	simm.s32 $0x2;
	s9 =	simm.s32 $0x80  }
.LBB2_1:
0xd: {  	[tilespmem:s2], [sflag:$0x2] =	stream.linear.gather [hbm4b:s4+s2], $0x2000, $0x38;
	[tilespmem:$0x2180] =	vst v63  }
0xe: {  	_ =	swait.ge [sflag:s8], $0x2000  }
0xf: {  	[sflag:s8] =	ssyncset.done $0x0  }
0x10: {  	s15 =	simm.s32 $0x40;
	[sflag:s8] =	ssyncadd.s32 $0xFFFFE000  }
0x11: {  	v1 =	vld [tilespmem:s15+$0xFFFFFFC0]  }
0x12: {  	s16 =	sadd.s32 $0x0, s7  }
0x13: {  	v2 =	vmov s16  }
0x14: {  	v2 =	vshll.u32 v2, $0x8  }
0x15: {  	v2 =	vor.u32 v0, v2  }
0x16: {  	v1 =	vadd.s32 v2, v1  }
0x17: {  	[tilespmem:$0x2000] =	vst v1  }
0x18: {  	v1 =	vld [tilespmem:s15+$0xFFFFFFD0]  }
0x19: {  	s17 =	sadd.s32 $0x10, s16  }
0x1a: {  	v2 =	vmov s17  }
0x1b: {  	v2 =	vshll.u32 v2, $0x8  }
0x1c: {  	v2 =	vor.u32 v0, v2  }
0x1d: {  	v1 =	vadd.s32 v2, v1  }
0x1e: {  	[tilespmem:$0x2010] =	vst v1  }
0x1f: {  	v1 =	vld [tilespmem:s15+$0xFFFFFFE0]  }
0x20: {  	s20 =	sadd.s32 $0x20, s16  }
0x21: {  	v2 =	vmov s20  }
0x22: {  	v2 =	vshll.u32 v2, $0x8  }
0x23: {  	v2 =	vor.u32 v0, v2  }
0x24: {  	v1 =	vadd.s32 v2, v1  }
0x25: {  	[tilespmem:$0x2020] =	vst v1  }
0x26: {  	v1 =	vld [tilespmem:s15+$0xFFFFFFF0]  }
0x27: {  	s21 =	sadd.s32 $0x30, s16  }
0x28: {  	v2 =	vmov s21  }
0x29: {  	v2 =	vshll.u32 v2, $0x8  }
0x2a: {  	v2 =	vor.u32 v0, v2  }
0x2b: {  	v1 =	vadd.s32 v2, v1  }
0x2c: {  	[tilespmem:$0x2030] =	vst v1  }
0x2d: {  	v1 =	vld [tilespmem:s15+$0x0]  }
0x2e: {  	s22 =	sadd.s32 $0x40, s16  }
0x2f: {  	v2 =	vmov s22  }
0x30: {  	v2 =	vshll.u32 v2, $0x8  }
0x31: {  	v2 =	vor.u32 v0, v2  }
0x32: {  	v1 =	vadd.s32 v2, v1  }
0x33: {  	[tilespmem:$0x2040] =	vst v1  }
0x34: {  	v1 =	vld [tilespmem:s15+$0x10]  }
0x35: {  	s23 =	sadd.s32 $0x50, s16  }
0x36: {  	v2 =	vmov s23  }
0x37: {  	v2 =	vshll.u32 v2, $0x8  }
0x38: {  	v2 =	vor.u32 v0, v2  }
0x39: {  	v1 =	vadd.s32 v2, v1  }
0x3a: {  	[tilespmem:$0x2050] =	vst v1  }
0x3b: {  	v1 =	vld [tilespmem:s15+$0x20]  }
0x3c: {  	s24 =	sadd.s32 $0x60, s16  }
0x3d: {  	v2 =	vmov s24  }
0x3e: {  	v2 =	vshll.u32 v2, $0x8  }
0x3f: {  	v2 =	vor.u32 v0, v2  }
0x40: {  	v1 =	vadd.s32 v2, v1  }
0x41: {  	[tilespmem:$0x2060] =	vst v1  }
0x42: {  	v1 =	vld [tilespmem:s15+$0x30]  }
0x43: {  	s25 =	sadd.s32 $0x70, s16  }
0x44: {  	v2 =	vmov s25  }
0x45: {  	v2 =	vshll.u32 v2, $0x8  }
0x46: {  	v2 =	vor.u32 v0, v2  }
0x47: {  	v1 =	vadd.s32 v2, v1  }
0x48: {  	[tilespmem:$0x2070] =	vst v1  }
0x49: {  	[tilespmem:s11], [sflag:$0x1] =	stream.indirect.gather [hbm4b:s3+s9], $0x1, s10, s9, $0xb8;
	[tilespmem:$0x2180] =	vst v63  }
0x4a: {  	_ =	swait.ge [sflag:s12], $0x80  }
0x4b: {  	[sflag:s12] =	ssyncset.done $0x0  }
0x4c: {  	[sflag:s12] =	ssyncadd.s32 $0xFFFFFF80  }
0x4d: {  	v1 =	vld [tilespmem:$0x2080]  }
0x4e: {  	s15 =	simm.s32 $0xC0;
	v2 =	vld [tilespmem:$0x2090]  }
0x4f: {  	v3 =	vld [tilespmem:s15+$0xFFFFFFC0]  }
0x50: {  	s26 =	sadd.s32 $0x80, s7  }
0x51: {  	v4 =	vimm.f32 $0.0e+00;
	v6 =	vmov s26  }
0x52: {  	v5 =	vld [tilespmem:$0x20A0];
	v1 =	vadd.f32 v1, v4;
	v4 =	vshll.u32 v6, $0x8  }
0x53: {  	v4 =	vor.u32 v0, v4  }
0x54: {  	v6 =	vld [tilespmem:$0x20B0];
	v1 =	vadd.f32 v2, v1;
	v2 =	vadd.s32 v4, v3  }
0x55: {  	[tilespmem:$0x2000] =	vst v2  }
0x56: {  	v4 =	vld [tilespmem:s15+$0xFFFFFFD0]  }
0x57: {  	s28 =	sadd.s32 $0x10, s26;
	v3 =	vld [tilespmem:$0x20C0];
	v1 =	vadd.f32 v5, v1  }
0x58: {  	v5 =	vmov s28  }
0x59: {  	v1 =	vadd.f32 v6, v1;
	v6 =	vshll.u32 v5, $0x8  }
0x5a: {  	s29 =	sadd.s32 $0x40, s26;
	v2 =	vld [tilespmem:$0x20D0];
	v6 =	vor.u32 v0, v6  }
0x5b: {  	s30 =	sadd.s32 $0x50, s26;
	v8 =	vmov s29;
	v11 =	vadd.s32 v6, v4  }
0x5c: {  	v10 =	vld [tilespmem:$0x20E0];
	v1 =	vadd.f32 v3, v1;
	v3 =	vshll.u32 v8, $0x8;
	v8 =	vmov s30;
	[tilespmem:$0x2010] =	vst v11  }
0x5d: {  	s18 =	sadd.s32 $0x20, s26;
	s31 =	sadd.s32 $0x60, s26;
	v4 =	vshll.u32 v8, $0x8;
	v8 =	vld [tilespmem:s15+$0xFFFFFFE0]  }
0x5e: {  	s19 =	sadd.s32 $0x30, s26;
	v7 =	vmov s18;
	v9 =	vmov s31;
	v6 =	vld [tilespmem:$0x20F0]  }
0x5f: {  	s16 =	sadd.s32 $0x70, s26;
	v7 =	vshll.u32 v7, $0x8;
	v5 =	vmov s19;
	v12 =	vadd.f32 v2, v1  }
0x60: {  	v5 =	vshll.u32 v5, $0x8;
	v1 =	vmov s16;
	v2 =	vshll.u32 v9, $0x8  }
0x61: {  	s16 =	simm.s32 $0x100;
	v9 =	vor.u32 v0, v7;
	v1 =	vshll.u32 v1, $0x8;
	v7 =	vadd.f32 v10, v12  }
.LBB2_2:
0x62: {  	p0 =	sne.s32 s16, $0x1F80;
	v8 =	vadd.s32 v9, v8;
	s17 =	smov.u32 s16;
	s16 =	sadd.s32 $0x80, s16  }
0x63: {  	[tilespmem:$0x2020] =	vst v8;
	v6 =	vadd.f32 v6, v7  }
0x64: {  	v7 =	vld [tilespmem:s15+$0xFFFFFFF0];
	_ =	sdelay $0x3  }
0x65: {  	v5 =	vor.u32 v0, v5  }
0x66: {  	v5 =	vadd.s32 v5, v7  }
0x67: {  	[tilespmem:$0x2030] =	vst v5  }
0x68: {  	v5 =	vld [tilespmem:s15+$0x0];
	_ =	sdelay $0x3  }
0x69: {  	v3 =	vor.u32 v0, v3  }
0x6a: {  	v3 =	vadd.s32 v3, v5  }
0x6b: {  	[tilespmem:$0x2040] =	vst v3  }
0x6c: {  	v3 =	vld [tilespmem:s15+$0x10];
	_ =	sdelay $0x3  }
0x6d: {  	v4 =	vor.u32 v0, v4  }
0x6e: {  	v3 =	vadd.s32 v4, v3  }
0x6f: {  	[tilespmem:$0x2050] =	vst v3  }
0x70: {  	v3 =	vld [tilespmem:s15+$0x20];
	_ =	sdelay $0x3  }
0x71: {  	v2 =	vor.u32 v0, v2  }
0x72: {  	v2 =	vadd.s32 v2, v3  }
0x73: {  	[tilespmem:$0x2060] =	vst v2  }
0x74: {  	v2 =	vld [tilespmem:s15+$0x30];
	_ =	sdelay $0x3  }
0x75: {  	v1 =	vor.u32 v0, v1  }
0x76: {  	v1 =	vadd.s32 v1, v2  }
0x77: {  	[tilespmem:$0x2070] =	vst v1  }
0x78: {  	[tilespmem:s11], [sflag:$0x1] =	stream.indirect.gather [hbm4b:s3+s9], $0x1, s10, s9, $0xb8;
	[tilespmem:$0x2180] =	vst v63  }
0x79: {  	_ =	swait.ge [sflag:s12], $0x80  }
0x7a: {  	[sflag:s12] =	ssyncset.done $0x0  }
0x7b: {  	s15 =	sadd.s32 $0x80, s15;
	[sflag:s12] =	ssyncadd.s32 $0xFFFFFF80  }
0x7c: {  	v1 =	vld [tilespmem:s15+$0xFFFFFFC0]  }
0x7d: {  	s17 =	sadd.s32 s17, s7;
	v2 =	vld [tilespmem:$0x2080]  }
0x7e: {  	s18 =	sadd.s32 $0x10, s17;
	s19 =	sadd.s32 $0x20, s17;
	s20 =	sadd.s32 $0x30, s17;
	v3 =	vmov s17;
	v7 =	vld [tilespmem:$0x2090]  }
0x7f: {  	s21 =	sadd.s32 $0x60, s17;
	v5 =	vmov s19;
	s19 =	sadd.s32 $0x50, s17;
	v4 =	vmov s18;
	s18 =	sadd.s32 $0x40, s17;
	v3 =	vshll.u32 v3, $0x8;
	v8 =	vld [tilespmem:$0x20A0]  }
0x80: {  	v10 =	vshll.u32 v5, $0x8;
	v9 =	vshll.u32 v4, $0x8;
	s17 =	sadd.s32 $0x70, s17;
	v3 =	vor.u32 v0, v3;
	v11 =	vld [tilespmem:$0x20B0]  }
0x81: {  	v4 =	vmov s18;
	v1 =	vadd.s32 v3, v1;
	v3 =	vmov s20;
	v12 =	vld [tilespmem:$0x20C0]  }
0x82: {  	[tilespmem:$0x2000] =	vst v1;
	v5 =	vshll.u32 v3, $0x8;
	v3 =	vshll.u32 v4, $0x8;
	v1 =	vadd.f32 v2, v6;
	v13 =	vld [tilespmem:$0x20D0]  }
0x83: {  	v15 =	vmov s17;
	v2 =	vmov s19;
	v6 =	vmov s21;
	v14 =	vld [tilespmem:s15+$0xFFFFFFD0]  }
0x84: {  	v4 =	vshll.u32 v2, $0x8;
	v2 =	vshll.u32 v6, $0x8;
	v7 =	vadd.f32 v7, v1;
	v16 =	vld [tilespmem:$0x20E0]  }
0x85: {  	v1 =	vshll.u32 v15, $0x8;
	v6 =	vld [tilespmem:$0x20F0]  }
0x86: {  	v7 =	vadd.f32 v8, v7  }
0x87: {  	v8 =	vor.u32 v0, v9  }
0x88: {  	v8 =	vadd.s32 v8, v14;
	v7 =	vadd.f32 v11, v7  }
0x89: {  	[tilespmem:$0x2010] =	vst v8  }
.Ltmp0:
0x8a: {  	v8 =	vld [tilespmem:s15+$0xFFFFFFE0];
	v7 =	vadd.f32 v12, v7;
	(pc) =	sbr.rel @p0 .LBB2_2-.Ltmp0, $3  }
0x8b: {  	_ = 	snop  }
0x8c: {  	v7 =	vadd.f32 v13, v7;
	_ =	sdelay $0x1  }
0x8d: {  	v9 =	vor.u32 v0, v10;
	v7 =	vadd.f32 v16, v7  }
0x8e: {  	v8 =	vadd.s32 v9, v8  }
0x8f: {  	[tilespmem:$0x2020] =	vst v8  }
0x90: {  	v8 =	vld [tilespmem:s15+$0xFFFFFFF0];
	_ =	sdelay $0x3  }
0x91: {  	v5 =	vor.u32 v0, v5  }
0x92: {  	v5 =	vadd.s32 v5, v8  }
0x93: {  	[tilespmem:$0x2030] =	vst v5  }
0x94: {  	v5 =	vld [tilespmem:s15+$0x0];
	_ =	sdelay $0x3  }
0x95: {  	v3 =	vor.u32 v0, v3  }
0x96: {  	v3 =	vadd.s32 v3, v5  }
0x97: {  	[tilespmem:$0x2040] =	vst v3  }
0x98: {  	v3 =	vld [tilespmem:s15+$0x10];
	_ =	sdelay $0x3  }
0x99: {  	v4 =	vor.u32 v0, v4  }
0x9a: {  	v3 =	vadd.s32 v4, v3  }
0x9b: {  	[tilespmem:$0x2050] =	vst v3  }
0x9c: {  	v3 =	vld [tilespmem:s15+$0x20];
	_ =	sdelay $0x3  }
0x9d: {  	v2 =	vor.u32 v0, v2  }
0x9e: {  	v2 =	vadd.s32 v2, v3  }
0x9f: {  	[tilespmem:$0x2060] =	vst v2  }
0xa0: {  	v2 =	vld [tilespmem:s15+$0x30];
	_ =	sdelay $0x3  }
0xa1: {  	v1 =	vor.u32 v0, v1  }
0xa2: {  	v1 =	vadd.s32 v1, v2  }
0xa3: {  	[tilespmem:$0x2070] =	vst v1  }
0xa4: {  	[tilespmem:s11], [sflag:$0x1] =	stream.indirect.gather [hbm4b:s3+s9], $0x1, s10, s9, $0xb8;
	[tilespmem:$0x2180] =	vst v63  }
0xa5: {  	_ =	swait.ge [sflag:s12], $0x80  }
0xa6: {  	[sflag:s12] =	ssyncset.done $0x0  }
0xa7: {  	[sflag:s12] =	ssyncadd.s32 $0xFFFFFF80  }
0xa8: {  	v1 =	vld [tilespmem:$0x2080];
	_ =	sdelay $0x1  }
0xa9: {  	v2 =	vld [tilespmem:$0x2090]  }
0xaa: {  	v3 =	vadd.f32 v6, v7  }
0xab: {  	v62 =	vld [tilespmem:$0x20A0]  }
0xac: {  	v1 =	vadd.f32 v1, v3  }
0xad: {  	v3 =	vld [tilespmem:$0x20B0]  }
0xae: {  	v1 =	vadd.f32 v2, v1  }
0xaf: {  	v2 =	vld [tilespmem:$0x20C0]  }
0xb0: {  	v1 =	vadd.f32 v62, v1  }
0xb1: {  	v63 =	vld [tilespmem:$0x20D0]  }
0xb2: {  	v1 =	vadd.f32 v3, v1  }
0xb3: {  	v3 =	vld [tilespmem:$0x20E0]  }
0xb4: {  	v1 =	vadd.f32 v2, v1  }
0xb5: {  	v2 =	vld [tilespmem:$0x20F0]  }
0xb6: {  	v1 =	vadd.f32 v63, v1;
	_ =	sdelay $0x1  }
0xb7: {  	v1 =	vadd.f32 v3, v1;
	_ =	sdelay $0x1  }
0xb8: {  	s14 =	sadd.s32 $0x1, s14;
	v1 =	vadd.f32 v2, v1  }
0xb9: {  	p0 =	sne.s32 s14, s6  }
.Ltmp1:
0xba: {  	[tilespmem:$0x2100] =	vst v1;
	(pc) =	sbr.rel @p0 .LBB2_1-.Ltmp1, $4  }
0xbb: {  	[hbm4b:s5+s2] =	stream.linear.scatter [tilespmem:s13], [sflag:$0x2], $0x80, $0x38;
	[tilespmem:$0x2180] =	vst v63  }
0xbc: {  	_ =	swait.ge [sflag:s8], $0x80  }
0xbd: {  	[sflag:s8] =	ssyncset.done $0x0  }
0xbe: {  	[sflag:s8] =	ssyncadd.s32 $0xFFFFFF80  }
0xbf: {  	_ =	sfence.sel $0x180000  }
0xc0: {  	[bflag:$0x0] =	sbarrier.arrive $0xFFFF  }
0xc1: {  	p0 =	sne.s32 s1, $0x0;
	_ =	strace $0x9000004A  }
0xc2: {  	s0 =	sadd.s32 @!p0 $0x100000, s0;
	[bflag:$0x2] =	sbarrier.arrive $0xFFFF  }
0xc3: {  	[sflag:s0] =	ssyncadd.tile.s32 @!p0 $0x1;
	_ =	shalt  }
.Lfunc_end2:
_tile_overlayer_lowered:
.L_overlay_start_2:
0xc4: {  	(tag) =	ssettag $0x2  }
0xc5: {  	s0 =	rddreg [dreg:$0x0];
	s2 =	stileid.u32  }
0xc6: {  	s1 =	rddreg [dreg:$0x1];
	p0 =	sne.s32 s2, $0x0  }
0xc7: {  	s3 =	rddreg [dreg:$0x2];
	[bflag:$0x3] =	sbarrier.arrive $0xFFFF;
	s2 =	simm.s32 @!p0 $0x1C02  }
0xc8: {  	[timem:s3], [sflag:s2] =	dma.local @!p0 [hbm:s0], s1  }
0xc9: {  	s0 =	simm.s32 @!p0 $0x2  }
0xca: {  	_ =	swait.ge @!p0 [sflag:s0], s1  }
0xcb: {  	s1 =	ssub.s32 @!p0 $0x0, s1;
	[sflag:s0] =	ssyncset.done @!p0 $0x0  }
0xcc: {  	[sflag:s0] =	ssyncadd.s32 @!p0 s1  }
0xcd: {  	[bflag:$0x3] =	sbarrier.arrive $0xFFFF  }
0xce: {  	_ =	shalt  }

// kernel: sparse-core-data-format-call.cloned.1.call-start
scs
called_computation_lowered:
.L_overlay_start_0:
0x0: {  	s2 =	sld [smem:$0x3FD9]  }
0x1: {  	s3 =	sld [smem:$0x3FFE];
	_ =	sdelay $0x1  }
0x2: {  	s1 =	srdreg.scid  }
0x3: {  	s0 =	sand.u32 $0x1, s1  }
0x4: {  	s18 =	sshll.u32 s0, $0xA;
	s2 =	sadd.s32 s3, s2  }
0x5: {  	s2 =	sadd.s32 s2, s18  }
0x6: {  	[smem:$0x3FC6] =	sst s2  }
0x7: {  	_ = 	snop  }
0x8: {  	s2 =	sld [smem:$0x3FC9];
	(tm) =	ssettm $0x1  }
0x9: {  	s19 =	sld [smem:$0x3FFB];
	_ =	sdelay $0x3  }
0xa: {  	_ =	strace s19  }
0xb: {  	s3 =	sld [smem:$0x3FFC];
	_ =	sdelay $0x3  }
0xc: {  	_ =	strace s3  }
0xd: {  	s3 =	sld [smem:$0x3FFD];
	_ =	sdelay $0x3  }
0xe: {  	_ =	strace s3  }
0xf: {  	_ =	strace $0x8FFFFFFF  }
0x10: {  	s20 =	sld [smem:$0x3FDB];
	_ =	sdelay $0x1  }
0x11: {  	s4 =	simm.s32 $_scs_section_size  }
0x12: {  	s5 =	simm.s32 $_size__tile_overlayer_lowered;
	s6 =	simm.s32 $_tile_overlayer_lowered  }
0x13: {  	s23 =	simm.s32 $0x1BFF;
	s22 =	sshll.u32 s6, $0x1;
	s3 =	sadd.s32 s4, s20  }
0x14: {  	s7 =	simm.s32 $0x0;
	s21 =	sshll.u32 s5, $0x1;
	s5 =	sadd.s32 s22, s3  }
0x15: {  	[timem:s7], [sflag:s23] =	dma.local [hbm:s5], s21  }
0x16: {  	_ =	swait.ge [sflag:s23], s21  }
0x17: {  	s4 =	ssub.s32 $0x0, s21;
	[sflag:s23] =	ssyncset.done $0x0  }
0x18: {  	[sflag:s23] =	ssyncadd.s32 s4;
	_ =	sdelay $0x1  }
0x19: {  	s24 =	simm.s32 $0x1B8B  }
0x1a: {  	_ =	swait.ge [sflag:s24], $0x1  }
0x1b: {  	[sflag:s24] =	ssyncset.done $0x0  }
0x1c: {  	s26 =	simm.s32 $0x1B8E;
	s25 =	sld [smem:$0x3FFE];
	[sflag:s24] =	ssyncadd.s32 $0xFFFFFFFF  }
0x1d: {  	s27 =	simm.s32 $execute0_lowered;
	[smem:$0x3FD2] =	sst s26  }
0x1e: {  	s5 =	sshll.u32 s27, $0x1;
	_ =	strace $0x80000046;
	[dreg:$0x1] =	wrdreg $0xFFFFFFFF  }
0x1f: {  	s28 =	simm.s32 $_size_execute0_lowered;
	s3 =	sadd.s32 s3, s5;
	[dreg:$0x0] =	wrdreg $0x0  }
0x20: {  	s5 =	sshll.u32 s28, $0x1;
	[dreg:$0x2] =	wrdreg s3  }
0x21: {  	[dreg:$0x3] =	wrdreg s5  }
0x22: {  	[dreg:$0x4] =	wrdreg $0xC0  }
0x23: {  	_ =	task [dreg:s7], $0x5FFFF  }
0x24: {  	[dreg:$0x1] =	wrdreg $0xFFFFFFFF  }
0x25: {  	[dreg:$0x0] =	wrdreg $0x60  }
0x26: {  	[dreg:$0x2] =	wrdreg s2  }
0x27: {  	[dreg:$0x3] =	wrdreg s25  }
0x28: {  	[dreg:$0x4] =	wrdreg $0x9  }
0x29: {  	_ =	task.clear_ibuf [dreg:s7], $0x5FFFF;
	_ =	strace $0x90000046  }
0x2a: {  	s29 =	simm.s32 $0x9;
	_ =	strace $0x80000048  }
0x2b: {  	_ =	swait.ge [sflag:s29], $0x1  }
0x2c: {  	[sflag:s29] =	ssyncadd.s32 $0xFFFFFFFF  }
0x2d: {  	_ =	strace $0x90000048  }
0x2e: {  	_ =	sfence  }
0x2f: {  	s30 =	sld [smem:$0x0];
	_ =	sdelay $0x2  }
0x30: {  	s31 =	sshll.u32 s1, $0xD;
	s1 =	sshrl.u32 s1, $0x2  }
0x31: {  	s3 =	sand.u32 $0x4000, s31;
	s1 =	sadd.s32 s1, s30  }
0x32: {  	s0 =	sor.u32 s3, s0;
	s1 =	sshll.u32 s1, $0x11  }
0x33: {  	s0 =	sor.u32 s1, s0  }
0x34: {  	s0 =	sadd.s32 $0x8F2B, s0  }
0x35: {  	[sflag:s0] =	ssyncadd.remote.s32 $0x1  }
0x36: {  	_ =	sfence.sel $0xFFFF  }
0x37: {  	[dreg:$0x0] =	wrdreg $0xFFFFFFFF;
	(pc) =	sbr.abs _section_cstart, $3  }
0x38: {  	[dreg:$0x1] =	wrdreg $0xFFFFFFFF  }
0x39: {  	_ =	task.clear_ibuf [dreg:s7], $0x2FFFF;
	_ =	strace $0x9FFFFFFF  }
0x3a: {  	(tm) =	ssettm $0x7FFFFFFF  }
0x3b: {  	_ =	shalt  }
tec
execute0_lowered:
.L_overlay_start_1:
0x0: {  	(tag) =	ssettag $0x1  }
0x1: {  	s0 =	srdreg.scid  }
0x2: {  	s1 =	sshll.u32 s0, $0x4  }
0x3: {  	s2 =	rddreg [dreg:$0x0];
	s0 =	stileid.u32;
	s1 =	sand.u32 $0x10, s1  }
0x4: {  	s4 =	rddreg [dreg:$0x1];
	s7 =	simm.s32 $0x1;
	s1 =	sor.u32 s0, s1  }
0x5: {  	s8 =	simm.s32 $0x2;
	s9 =	simm.s32 $0x0;
	s3 =	sshll.u32 s1, $0x3  }
0x6: {  	s12 =	simm.s32 $0x0;
	s11 =	simm.s32 $0x0;
	s6 =	ssub.s32 $0x8000, s3  }
.Ltmp0:
0x7: {  	s4 =	sadd.s32 $0x400, s4;
	s5 =	sand.u32 $0xF8, s6;
	(pc) =	sbr.rel .LBB1_1-.Ltmp0, $4  }
0x8: {  	s1 =	rddreg [dreg:$0x2];
	_ =	strace $0x80000047;
	p0 =	sne.s32 s5, $0x0  }
0x9: {  	s6 =	sshrl.u32 s6, $0x8;
	s5 =	simm.s32 $0x1;
	s7 =	simm.s32 @!p0 $0x0  }
0xa: {  	s10 =	smov.u32 s3;
	[sflag:s5] =	ssyncpa.u1 $0x0;
	s6 =	sadd.s32 s7, s6  }
0xb: {  	[sflag:s8] =	ssyncpa.u1 $0x0;
	s8 =	simm.s32 $0x0;
	s7 =	sadd.s32 $0x1, s6  }
.LBB1_9:
0xc: {  	s14 =	sadd.s32 $0x100, s10  }
0xd: {  	p1 =	sgt.s32 s14, $0x7FFF  }
0xe: {  	s14 =	smov.u32 @p1 s3;
	p1 =	sne.s32 s11, s7  }
.Ltmp1:
0xf: {  	p0 =	slt.u32 s11, $0x2;
	(pc) =	sbr.rel @!p1 .LBB1_10-.Ltmp1, $4  }
0x10: {  	s13 =	simm.s32 @!p0 $0x2  }
0x11: {  	s15 =	sadd.s32 $0x1, s11;
	_ =	swait.ge @!p0 [sflag:s13], $0x4000  }
0x12: {  	s12 =	smov.u32 s10;
	s9 =	sadd.s32 $0x4000, s9;
	[sflag:s13] =	ssyncset.done @!p0 $0x0  }
0x13: {  	s11 =	smov.u32 s15;
	s10 =	smov.u32 s14;
	[sflag:s13] =	ssyncadd.s32 @!p0 $0xFFFFC000  }
.LBB1_1:
0x14: {  	p0 =	sge.u32 s11, s6  }
0x15: {  	s13 =	sxor.u32 @!p0 $0xFFFFFFFF, s11  }
0x16: {  	s31 =	sadd.s32 $0xFFFFFFFF, s11;
	s14 =	sshll.u32 @!p0 s10, $0x8;
	s13 =	sshll.u32 @!p0 s13, $0xE  }
0x17: {  	s15 =	simm.s32 @!p0 $0x0;
	s14 =	sadd.s32 @!p0 s2, s14;
	s13 =	sand.u32 @!p0 $0x4000, s13  }
0x18: {  	[tilespmem:s13], [sflag:$0x1] =	stream.linear.gather @!p0 [hbm4b:s14+s15], $0x4000, $0x38;
	[tilespmem:$0x10000] =	vst v63  }
0x19: {  	p0 =	sge.u32 s31, s6  }
.Ltmp2:
0x1a: {  	_ = 	snop;
	(pc) =	sbr.rel @p0 .LBB1_9-.Ltmp2, $1  }
0x1b: {  	_ =	sdelay $0x3  }
0x1c: {  	s13 =	sshll.u32 s9, $0x2;
	_ =	swait.ge [sflag:s5], $0x4000;
	s14 =	sshll.u32 s11, $0xE  }
0x1d: {  	s16 =	simm.s32 $0x0;
	s17 =	simm.s32 $0x0;
	s15 =	sand.u32 $0x10000, s13  }
0x1e: {  	[sflag:s5] =	ssyncset.done $0x0;
	s31 =	sand.u32 $0x4000, s14;
	s14 =	sshrl.u32 s15, $0x2  }
0x1f: {  	[sflag:s5] =	ssyncadd.s32 $0xFFFFC000;
	s13 =	sor.u32 $0x8000, s31;
	s15 =	sor.u32 $0x8000, s14  }
.LBB1_3:
0x20: {  	s18 =	sshra.s32 s16, $0x2  }
0x21: {  	v0 =	vmov s18;
	_ =	sdelay $0x3  }
0x22: {  	p1 =	por $0x1, $0x1;
	s18 =	simm.s32 $0x0  }
.LBB1_4:
0x23: {  	_ = 	snop  }
0x24: {  	s19 =	sshll.u32 s18, $0xA  }
0x25: {  	s19 =	sand.u32 $0x3FFFFC00, s19  }
0x26: {  	s19 =	sadd.s32 s19, s14  }
0x27: {  	v5 =	vld.idx.msk [tilespmem:v0+s19+$0x70 ss:$0x1], $0xffff  }
0x28: {  	v6 =	vld.idx.msk [tilespmem:v0+s19+$0x10 ss:$0x1], $0xffff  }
0x29: {  	v7 =	vld.idx.msk [tilespmem:v0+s19+$0x20 ss:$0x1], $0xffff  }
0x2a: {  	s31 =	sshll.u32 s18, $0x7;
	v1 =	vld.idx.msk [tilespmem:v0+s19+$0x30 ss:$0x1], $0xffff  }
0x2b: {  	s18 =	sand.u32 $0x3FFFFF80, s31;
	v2 =	vld.idx.msk [tilespmem:v0+s19+$0x40 ss:$0x1], $0xffff  }
0x2c: {  	s18 =	sadd.s32 s18, s15;
	v3 =	vld.idx.msk [tilespmem:v0+s19+$0x50 ss:$0x1], $0xffff  }
0x2d: {  	v4 =	vld.idx.msk [tilespmem:v0+s19+$0x60 ss:$0x1], $0xffff;
	[tilespmem:v0+s18+$0x70 ss:$0x1] =	vst.idx.msk $0xffff, v5  }
0x2e: {  	v5 =	vld.idx.msk [tilespmem:v0+s19+$0x0 ss:$0x1], $0xffff;
	[tilespmem:v0+s18+$0x10 ss:$0x1] =	vst.idx.msk $0xffff, v6;
	s19 =	sadd.s32 $0x80, s19  }
0x2f: {  	p0 =	por p1, p1;
	s20 =	simm.s32 $0x6;
	[tilespmem:v0+s18+$0x20 ss:$0x1] =	vst.idx.msk $0xffff, v7;
	v6 =	vld.idx.msk [tilespmem:v0+s19+$0x70 ss:$0x1], $0xffff  }
.LBB1_5:
0x30: {  	p1 =	sne.s32 s20, $0x1;
	v7 =	vld.idx.msk [tilespmem:v0+s19+$0x10 ss:$0x1], $0xffff;
	[tilespmem:v0+s18+$0x30 ss:$0x1] =	vst.idx.msk $0xffff, v1  }
0x31: {  	v8 =	vld.idx.msk [tilespmem:v0+s19+$0x20 ss:$0x1], $0xffff;
	[tilespmem:v0+s18+$0x40 ss:$0x1] =	vst.idx.msk $0xffff, v2  }
0x32: {  	v1 =	vld.idx.msk [tilespmem:v0+s19+$0x30 ss:$0x1], $0xffff;
	[tilespmem:v0+s18+$0x50 ss:$0x1] =	vst.idx.msk $0xffff, v3  }
.Ltmp3:
0x33: {  	v2 =	vld.idx.msk [tilespmem:v0+s19+$0x40 ss:$0x1], $0xffff;
	[tilespmem:v0+s18+$0x60 ss:$0x1] =	vst.idx.msk $0xffff, v4;
	(pc) =	sbr.rel @p1 .LBB1_5-.Ltmp3, $4  }
0x34: {  	v3 =	vld.idx.msk [tilespmem:v0+s19+$0x50 ss:$0x1], $0xffff;
	[tilespmem:v0+s18+$0x0 ss:$0x1] =	vst.idx.msk $0xffff, v5;
	s18 =	sadd.s32 $0x100, s18  }
0x35: {  	v4 =	vld.idx.msk [tilespmem:v0+s19+$0x60 ss:$0x1], $0xffff;
	[tilespmem:v0+s18+$0x70 ss:$0x1] =	vst.idx.msk $0xffff, v6  }
0x36: {  	v5 =	vld.idx.msk [tilespmem:v0+s19+$0x0 ss:$0x1], $0xffff;
	[tilespmem:v0+s18+$0x10 ss:$0x1] =	vst.idx.msk $0xffff, v7;
	s19 =	sadd.s32 $0x80, s19  }
0x37: {  	s20 =	sadd.s32 $0xFFFFFFFF, s20;
	v6 =	vld.idx.msk [tilespmem:v0+s19+$0x70 ss:$0x1], $0xffff;
	[tilespmem:v0+s18+$0x20 ss:$0x1] =	vst.idx.msk $0xffff, v8  }
0x38: {  	_ =	sdelay $0x3  }
0x39: {  	[tilespmem:v0+s18+$0x30 ss:$0x1] =	vst.idx.msk $0xffff, v1  }
0x3a: {  	v1 =	vld.idx.msk [tilespmem:v0+s19+$0x10 ss:$0x1], $0xffff;
	[tilespmem:v0+s18+$0x40 ss:$0x1] =	vst.idx.msk $0xffff, v2  }
0x3b: {  	v2 =	vld.idx.msk [tilespmem:v0+s19+$0x20 ss:$0x1], $0xffff;
	[tilespmem:v0+s18+$0x50 ss:$0x1] =	vst.idx.msk $0xffff, v3  }
0x3c: {  	v61 =	vld.idx.msk [tilespmem:v0+s19+$0x40 ss:$0x1], $0xffff;
	[tilespmem:v0+s18+$0x60 ss:$0x1] =	vst.idx.msk $0xffff, v4  }
0x3d: {  	s31 =	sadd.s32 $0x100, s18;
	v62 =	vld.idx.msk [tilespmem:v0+s19+$0x50 ss:$0x1], $0xffff;
	[tilespmem:v0+s18+$0x0 ss:$0x1] =	vst.idx.msk $0xffff, v5  }
0x3e: {  	v63 =	vld.idx.msk [tilespmem:v0+s19+$0x60 ss:$0x1], $0xffff;
	[tilespmem:v0+s31+$0x70 ss:$0x1] =	vst.idx.msk $0xffff, v6  }
0x3f: {  	v3 =	vld.idx.msk [tilespmem:v0+s19+$0x30 ss:$0x1], $0xffff;
	[tilespmem:v0+s31+$0x10 ss:$0x1] =	vst.idx.msk $0xffff, v1  }
0x40: {  	v1 =	vld.idx.msk [tilespmem:v0+s19+$0x0 ss:$0x1], $0xffff;
	[tilespmem:v0+s31+$0x20 ss:$0x1] =	vst.idx.msk $0xffff, v2  }
.Ltmp4:
0x41: {  	[tilespmem:v0+s31+$0x40 ss:$0x1] =	vst.idx.msk $0xffff, v61;
	(pc) =	sbr.rel @p0 .LBB1_4-.Ltmp4, $4  }
0x42: {  	[tilespmem:v0+s31+$0x50 ss:$0x1] =	vst.idx.msk $0xffff, v62  }
0x43: {  	[tilespmem:v0+s31+$0x60 ss:$0x1] =	vst.idx.msk $0xffff, v63  }
0x44: {  	[tilespmem:v0+s31+$0x30 ss:$0x1] =	vst.idx.msk $0xffff, v3  }
0x45: {  	p1 =	por $0x0, $0x0;
	s18 =	simm.s32 $0x1;
	[tilespmem:v0+s31+$0x0 ss:$0x1] =	vst.idx.msk $0xffff, v1  }
0x46: {  	s17 =	sadd.s32 $0x1, s17  }
0x47: {  	p0 =	sne.s32 s17, $0x8  }
.Ltmp5:
0x48: {  	_ = 	snop;
	(pc) =	sbr.rel @p0 .LBB1_3-.Ltmp5, $2  }
0x49: {  	_ =	sdelay $0x2  }
0x4a: {  	s16 =	sadd.s32 $0x2000, s16  }
.Ltmp6:
0x4b: {  	(pc) =	sbr.rel .LBB1_9-.Ltmp6, $4  }
0x4c: {  	_ = 	snop  }
0x4d: {  	s12 =	sshll.u32 s12, $0x8  }
0x4e: {  	s12 =	sadd.s32 s4, s12  }
0x4f: {  	[hbm4b:s12+s8] =	stream.linear.scatter [tilespmem:s13], [sflag:$0x2], $0x4000, $0x38;
	[tilespmem:$0x10000] =	vst v63  }
.LBB1_10:
0x50: {  	_ =	sfence.sel $0x180000  }
0x51: {  	s2 =	simm.s32 $0x1;
	[bflag:$0x0] =	sbarrier.arrive $0xFFFF  }
0x52: {  	s31 =	simm.s32 $0x2;
	[sflag:s2] =	ssyncpa.u1 $0x1  }
0x53: {  	[sflag:s31] =	ssyncpa.u1 $0x1  }
0x54: {  	p0 =	sne.s32 s0, $0x0;
	_ =	strace $0x90000047  }
0x55: {  	s0 =	sadd.s32 @!p0 $0x100000, s1;
	[bflag:$0x2] =	sbarrier.arrive $0xFFFF  }
0x56: {  	[sflag:s0] =	ssyncadd.tile.s32 @!p0 $0x1;
	_ =	shalt  }
.Lfunc_end1:
_tile_overlayer_lowered:
.L_overlay_start_2:
0x57: {  	(tag) =	ssettag $0x2  }
0x58: {  	s0 =	rddreg [dreg:$0x0];
	s2 =	stileid.u32  }
0x59: {  	s1 =	rddreg [dreg:$0x1];
	p0 =	sne.s32 s2, $0x0  }
0x5a: {  	s3 =	rddreg [dreg:$0x2];
	[bflag:$0x3] =	sbarrier.arrive $0xFFFF;
	s2 =	simm.s32 @!p0 $0x1C01  }
0x5b: {  	[timem:s3], [sflag:s2] =	dma.local @!p0 [hbm:s0], s1  }
0x5c: {  	s0 =	simm.s32 @!p0 $0x1  }
0x5d: {  	_ =	swait.ge @!p0 [sflag:s0], s1  }
0x5e: {  	s1 =	ssub.s32 @!p0 $0x0, s1;
	[sflag:s0] =	ssyncset.done @!p0 $0x0  }
0x5f: {  	[sflag:s0] =	ssyncadd.s32 @!p0 s1  }
0x60: {  	[bflag:$0x3] =	sbarrier.arrive $0xFFFF  }
0x61: {  	_ =	shalt  }

</sc_bundles>
